<compile_context>
chip_gen: v7x
topology: tpu7x:2x2x1
jax: 0.10.2.dev20260603
libtpu: 0.0.44.dev20260713+nightly
codegen_flags: <defaults>
</compile_context>

<pallas_src>
import numpy as np

import jax
import jax.numpy as jnp
from jax import lax
from jax.experimental import pallas as pl
from jax.experimental.pallas import tpu as pltpu
from jax.experimental.pallas import tpu_sc as plsc

_B = 8
_C = 64
_N = 65536
_R = 32
_R3 = _R * _R * _R
_NC = 2
_NS = 16
_L = 16

_CHUNK = 512
_P1CHUNK = 1024
_P1SUB = 4096 // _P1CHUNK
_PT_PER_TILE = _N // _NS
_RCHUNK = 512

_MAGIC = np.float32(2.0 ** 23)


def _body(feat_hbm, coords_hbm, out_hbm, norm_hbm,
          coords_buf, idx_buf, table0, table1, feat_buf, idx2_buf, recip_buf,
          out_stage, semf0, semf1, semi0, semi1, semw0, semw1,
          flat_spmem, recip_spmem):
    c = lax.axis_index("c")
    s = lax.axis_index("s")

    zeros16 = jnp.full((_L,), np.float32(0.0), jnp.float32)
    ones16 = jnp.full((_L,), np.float32(1.0), jnp.float32)

    def p1_outer(t, carry):
        b = t // _P1SUB
        u = t % _P1SUB
        pbase = s * _PT_PER_TILE + u * _P1CHUNK
        pltpu.sync_copy(coords_hbm.at[b, :, pl.ds(pbase, _P1CHUNK)],
                        coords_buf)

        @plsc.parallel_loop(0, _P1CHUNK // _L, 1, unroll=4)
        def p1_iter(g):
            sl = pl.ds(g * _L, _L)
            rnd = []
            for d in range(3):
                cd = coords_buf[d, sl]
                nd = jnp.minimum(
                    jnp.maximum(cd * np.float32(_R), np.float32(0.0)),
                    np.float32(_R - 1))
                coords_buf[d, sl] = nd
                rnd.append((nd + _MAGIC) - _MAGIC)
            flat_f = (rnd[0] * np.float32(_R * _R)
                      + rnd[1] * np.float32(_R) + rnd[2])
            idx_buf[sl] = flat_f.astype(jnp.int32)

        @pl.when(c == 0)
        def _():
            pltpu.sync_copy(coords_buf,
                            norm_hbm.at[b, :, pl.ds(pbase, _P1CHUNK)])

        pltpu.sync_copy(idx_buf, flat_spmem.at[b, pl.ds(pbase, _P1CHUNK)])
        return carry

    lax.fori_loop(0, _B * _P1SUB, p1_outer, 0)

    plsc.subcore_barrier()

    @pl.when(s < _B)
    def _():
        @plsc.parallel_loop(0, _R3 // _L, 1, unroll=8)
        def z_iter(g):
            table0[pl.ds(g * _L, _L)] = zeros16

        def cnt_outer(k, carry):
            pltpu.sync_copy(flat_spmem.at[s, pl.ds(k * _CHUNK, _CHUNK)],
                            idx2_buf.at[0])

            @plsc.parallel_loop(0, _CHUNK // _L, 1, unroll=8)
            def cnt_iter(g):
                idxv = idx2_buf[0, pl.ds(g * _L, _L)]
                plsc.addupdate_scatter(table0, [idxv], ones16)
            return carry

        lax.fori_loop(0, _N // _CHUNK, cnt_outer, 0)

        @plsc.parallel_loop(0, _R3 // _L, 1, unroll=4)
        def r_iter(g):
            sl = pl.ds(g * _L, _L)
            cnt = table0[sl]
            table1[sl] = np.float32(1.0) / jnp.maximum(cnt, np.float32(1.0))

        pltpu.sync_copy(table1, recip_spmem.at[s])

    plsc.subcore_barrier()

    ch0 = c * (_C // _NC) + 2 * s

    @plsc.parallel_loop(0, _R3 // _L, 1, unroll=8)
    def z2_iter(g):
        sl = pl.ds(g * _L, _L)
        table0[sl] = zeros16
        table1[sl] = zeros16

    def p2_outer(b, carry):
        def issue_in(k, slot, semf, semi):
            pltpu.async_copy(
                feat_hbm.at[b, pl.ds(ch0, 2), pl.ds(k * _CHUNK, _CHUNK)],
                feat_buf.at[slot], semf)
            pltpu.async_copy(flat_spmem.at[b, pl.ds(k * _CHUNK, _CHUNK)],
                             idx2_buf.at[slot], semi)

        def drain_in(k, slot, semf, semi):
            pltpu.make_async_copy(
                feat_hbm.at[b, pl.ds(ch0, 2), pl.ds(k * _CHUNK, _CHUNK)],
                feat_buf.at[slot], semf).wait()
            pltpu.make_async_copy(flat_spmem.at[b, pl.ds(k * _CHUNK, _CHUNK)],
                                  idx2_buf.at[slot], semi).wait()

        def scatter(slot):
            @plsc.parallel_loop(0, _CHUNK // _L, 1, unroll=8)
            def sc_iter(g):
                sl = pl.ds(g * _L, _L)
                idxv = idx2_buf[slot, sl]
                plsc.addupdate_scatter(table0, [idxv], feat_buf[slot, 0, sl])
                plsc.addupdate_scatter(table1, [idxv], feat_buf[slot, 1, sl])

        issue_in(0, 0, semf0, semi0)

        def pair_loop(kk, kcarry):
            k0 = kk * 2
            issue_in(k0 + 1, 1, semf1, semi1)
            drain_in(k0, 0, semf0, semi0)
            scatter(0)

            @pl.when(kk < _N // _CHUNK // 2 - 1)
            def _():
                issue_in(k0 + 2, 0, semf0, semi0)

            drain_in(k0 + 1, 1, semf1, semi1)
            scatter(1)
            return kcarry

        lax.fori_loop(0, _N // _CHUNK // 2, pair_loop, 0)

        def issue_w(j, slot, semw):
            pltpu.async_copy(
                out_stage.at[slot],
                out_hbm.at[b, pl.ds(ch0, 2), pl.ds(j * _RCHUNK, _RCHUNK)],
                semw)

        def drain_w(j, slot, semw):
            pltpu.make_async_copy(
                out_stage.at[slot],
                out_hbm.at[b, pl.ds(ch0, 2), pl.ds(j * _RCHUNK, _RCHUNK)],
                semw).wait()

        def scale_chunk(j, slot):
            pltpu.sync_copy(recip_spmem.at[b, pl.ds(j * _RCHUNK, _RCHUNK)],
                            recip_buf)

            @plsc.parallel_loop(0, _RCHUNK // _L, 1, unroll=4)
            def m_iter(g):
                sl = pl.ds(g * _L, _L)
                tsl = pl.ds(j * _RCHUNK + g * _L, _L)
                rv = recip_buf[sl]
                out_stage[slot, 0, sl] = table0[tsl] * rv
                out_stage[slot, 1, sl] = table1[tsl] * rv
                table0[tsl] = zeros16
                table1[tsl] = zeros16

        def w_pair(jj, kcarry):
            j0 = jj * 2

            @pl.when(jj > 0)
            def _():
                drain_w(j0 - 2, 0, semw0)

            scale_chunk(j0, 0)
            issue_w(j0, 0, semw0)

            @pl.when(jj > 0)
            def _():
                drain_w(j0 - 1, 1, semw1)

            scale_chunk(j0 + 1, 1)
            issue_w(j0 + 1, 1, semw1)
            return kcarry

        nw = _R3 // _RCHUNK
        lax.fori_loop(0, nw // 2, w_pair, 0)
        drain_w(nw - 2, 0, semw0)
        drain_w(nw - 1, 1, semw1)
        return carry

    lax.fori_loop(0, _B, p2_outer, 0)


@jax.jit
def _voxelize(features, coords):
    mesh = plsc.VectorSubcoreMesh(core_axis_name="c", subcore_axis_name="s")
    f = pl.kernel(
        _body,
        out_type=(
            jax.ShapeDtypeStruct((_B, _C, _R3), jnp.float32),
            jax.ShapeDtypeStruct((_B, 3, _N), jnp.float32),
        ),
        mesh=mesh,
        compiler_params=pltpu.CompilerParams(needs_layout_passes=False),
        scratch_types=[
            pltpu.VMEM((3, _P1CHUNK), jnp.float32),
            pltpu.VMEM((_P1CHUNK,), jnp.int32),
            pltpu.VMEM((_R3,), jnp.float32),
            pltpu.VMEM((_R3,), jnp.float32),
            pltpu.VMEM((2, 2, _CHUNK), jnp.float32),
            pltpu.VMEM((2, _CHUNK), jnp.int32),
            pltpu.VMEM((_RCHUNK,), jnp.float32),
            pltpu.VMEM((2, 2, _RCHUNK), jnp.float32),
            pltpu.SemaphoreType.DMA,
            pltpu.SemaphoreType.DMA,
            pltpu.SemaphoreType.DMA,
            pltpu.SemaphoreType.DMA,
            pltpu.SemaphoreType.DMA,
            pltpu.SemaphoreType.DMA,
            pltpu.VMEM_SHARED((_B, _N), jnp.int32),
            pltpu.VMEM_SHARED((_B, _R3), jnp.float32),
        ],
    )
    return f(features, coords)


def kernel(features, coords):
    out_flat, norm = _voxelize(features, coords)
    return out_flat.reshape(_B, _C, _R, _R, _R), norm

# --- scband reference (transcript-rebuilt; emitter-appended) ---
"""Pipeline reference for scband-voxelization-80719615361768 (READ-ONLY COPY).

The authoritative reference and input builder live on the scoring server;
editing this copy changes nothing except your own understanding.
"""

import jax, jax.numpy as jnp
import numpy as np

R = 32


def setup_inputs(seed: int = 0) -> dict:
    key = jax.random.key(seed)
    k1, k2 = jax.random.split(key)
    features = jax.random.normal(k1, (8, 64, 65536), dtype=jnp.float32)
    coords = jax.random.uniform(k2, (8, 3, 65536), dtype=jnp.float32)
    return {"features": features, "coords": coords}


def _avg_voxelize(features, vox_idx, r):
    # features: [B, C, N], vox_idx: [B, N] int32 flat voxel ids in [0, r^3)
    def per_batch(feat, ind):
        n = feat.shape[1]
        sums = jax.ops.segment_sum(feat.T, ind, num_segments=r ** 3)  # [r^3, C]
        cnt = jax.ops.segment_sum(jnp.ones((n,), dtype=feat.dtype), ind, num_segments=r ** 3)  # [r^3]
        avg = sums / jnp.maximum(cnt, 1.0)[:, None]
        return avg.T.reshape(feat.shape[0], r, r, r)  # [C, r, r, r]
    return jax.vmap(per_batch)(features, vox_idx)


def reference(features, coords):
    r = R
    coords = jax.lax.stop_gradient(coords)  # coords.detach()
    norm_coords = jnp.clip(coords * r, 0.0, r - 1)
    vox_coords = jnp.round(norm_coords).astype(jnp.int32)  # [B, 3, N]
    flat_idx = vox_coords[:, 0] * (r * r) + vox_coords[:, 1] * r + vox_coords[:, 2]  # [B, N]
    out = _avg_voxelize(features, flat_idx, r)  # [B, C, r, r, r]
    return out, norm_coords

if __name__ == "__main__":
    import jax
    _d = setup_inputs()
    print(jax.jit(kernel)(*tuple(_d.values())))

</pallas_src>

<mosaic_0001>
#map = affine_map<(d0, d1) -> (0, 0, 0)>
module attributes {stable_mosaic.version = 14 : i64} {
  func.func @_body(%arg0: i32, %arg1: i32, %arg2: memref<8x64x65536xf32, #tpu.memory_space<hbm>>, %arg3: memref<8x3x65536xf32, #tpu.memory_space<hbm>>, %arg4: memref<8x64x32768xf32, #tpu.memory_space<hbm>>, %arg5: memref<8x3x65536xf32, #tpu.memory_space<hbm>>, %arg6: memref<3x1024xf32, #tpu.memory_space<vmem>>, %arg7: memref<1024xi32, #tpu.memory_space<vmem>>, %arg8: memref<32768xf32, #tpu.memory_space<vmem>>, %arg9: memref<32768xf32, #tpu.memory_space<vmem>>, %arg10: memref<2x2x512xf32, #tpu.memory_space<vmem>>, %arg11: memref<2x512xi32, #tpu.memory_space<vmem>>, %arg12: memref<512xf32, #tpu.memory_space<vmem>>, %arg13: memref<2x2x512xf32, #tpu.memory_space<vmem>>, %arg14: memref<!tpu.dma_semaphore, #tpu.memory_space<semaphore_mem>>, %arg15: memref<!tpu.dma_semaphore, #tpu.memory_space<semaphore_mem>>, %arg16: memref<!tpu.dma_semaphore, #tpu.memory_space<semaphore_mem>>, %arg17: memref<!tpu.dma_semaphore, #tpu.memory_space<semaphore_mem>>, %arg18: memref<!tpu.dma_semaphore, #tpu.memory_space<semaphore_mem>>, %arg19: memref<!tpu.dma_semaphore, #tpu.memory_space<semaphore_mem>>, %arg20: memref<8x65536xi32, #tpu.memory_space<vmem_shared>>, %arg21: memref<8x32768xf32, #tpu.memory_space<vmem_shared>>) attributes {dimension_semantics = [#tpu.dimension_semantics<core_parallel>, #tpu.dimension_semantics<subcore_parallel>], iteration_bounds = array<i64: 2, 16>, scalar_prefetch = 0 : i64, scratch_operands = 16 : i64, tpu.core_type = #tpu.core_type<sc_vector_subcore>, window_params = [{transform_indices = #map}, {transform_indices = #map}, {transform_indices = #map}, {transform_indices = #map}]} {
    %broadcast_in_dim3A = arith.constant 0.000000e+00 : f32
    %broadcast_in_dim3A_0 = vector.broadcast %broadcast_in_dim3A : f32 to vector<16xf32>
    %broadcast_in_dim3A_1 = arith.constant 1.000000e+00 : f32
    %broadcast_in_dim3A_2 = vector.broadcast %broadcast_in_dim3A_1 : f32 to vector<16xf32>
    %scan3A = arith.constant 0 : i32
    %scan3A_3 = arith.constant 0 : i32
    %scan3A_4 = arith.constant 32 : i32
    %scan3A_5 = arith.addi %scan3A_3, %scan3A_4 : i32
    %scan3A_6 = arith.constant 1 : i32
    scf.for %scan3A_22 = %scan3A_3 to %scan3A_5 step %scan3A_6  : i32 {
      %jit3A = arith.constant 4 : i32
      %div3A = arith.divsi %scan3A_22, %jit3A : i32
      %sign3A = arith.constant 0 : i32
      %sign3A_23 = arith.cmpi sgt, %scan3A_22, %sign3A : i32
      %sign3A_24 = arith.extui %sign3A_23 : i1 to i32
      %sign3A_25 = arith.constant 0 : i32
      %sign3A_26 = arith.cmpi slt, %scan3A_22, %sign3A_25 : i32
      %sign3A_27 = arith.extui %sign3A_26 : i1 to i32
      %sign3A_28 = arith.subi %sign3A_24, %sign3A_27 : i32
      %sign3A_29 = arith.constant 0 : i32
      %sign3A_30 = arith.cmpi sgt, %jit3A, %sign3A_29 : i32
      %sign3A_31 = arith.extui %sign3A_30 : i1 to i32
      %sign3A_32 = arith.constant 0 : i32
      %sign3A_33 = arith.cmpi slt, %jit3A, %sign3A_32 : i32
      %sign3A_34 = arith.extui %sign3A_33 : i1 to i32
      %sign3A_35 = arith.subi %sign3A_31, %sign3A_34 : i32
      %ne3A = arith.cmpi ne, %sign3A_28, %sign3A_35 : i32
      %rem3A = arith.remsi %scan3A_22, %jit3A : i32
      %ne3A_36 = arith.constant 0 : i32
      %ne3A_37 = arith.cmpi ne, %rem3A, %ne3A_36 : i32
      %and3A = arith.andi %ne3A, %ne3A_37 : i1
      %sub3A = arith.constant 1 : i32
      %sub3A_38 = arith.subi %div3A, %sub3A : i32
      %select_n3A = arith.select %and3A, %sub3A_38, %div3A : i32
      %jit3A_39 = arith.constant 4 : i32
      %eq3A = arith.constant 0 : i32
      %eq3A_40 = arith.cmpi eq, %jit3A_39, %eq3A : i32
      %jit3A_41 = arith.constant 1 : i32
      %select_n3A_42 = arith.select %eq3A_40, %jit3A_41, %jit3A_39 : i32
      %rem3A_43 = arith.remsi %scan3A_22, %select_n3A_42 : i32
      %ne3A_44 = arith.constant 0 : i32
      %ne3A_45 = arith.cmpi ne, %rem3A_43, %ne3A_44 : i32
      %lt3A_46 = arith.constant 0 : i32
      %lt3A_47 = arith.cmpi slt, %rem3A_43, %lt3A_46 : i32
      %lt3A_48 = arith.constant 0 : i32
      %lt3A_49 = arith.cmpi slt, %select_n3A_42, %lt3A_48 : i32
      %ne3A_50 = arith.xori %lt3A_47, %lt3A_49 : i1
      %and3A_51 = arith.andi %ne3A_50, %ne3A_45 : i1
      %add3A_52 = arith.addi %rem3A_43, %select_n3A_42 : i32
      %select_n3A_53 = arith.select %and3A_51, %add3A_52, %rem3A_43 : i32
      %mul3A_54 = arith.constant 4096 : i32
      %mul3A_55 = arith.muli %arg1, %mul3A_54 : i32
      %mul3A_56 = arith.constant 1024 : i32
      %mul3A_57 = arith.muli %select_n3A_53, %mul3A_56 : i32
      %add3A_58 = arith.addi %mul3A_55, %mul3A_57 : i32
      "tpu.region"() ({
        %run_scoped3A = tpu.sem_alloc : memref<!tpu.dma_semaphore, #tpu.memory_space<semaphore_mem>>
        %dma_start3A = arith.constant 0 : i32
        %dma_start3A_67 = tpu.memref_slice %arg3[%select_n3A, %dma_start3A, %add3A_58] : memref<8x3x65536xf32, #tpu.memory_space<hbm>> -> memref<1x3x1024xf32, #tpu.memory_space<hbm>>
        %dma_start3A_68 = tpu.memref_squeeze %dma_start3A_67 : memref<1x3x1024xf32, #tpu.memory_space<hbm>> -> memref<3x1024xf32, #tpu.memory_space<hbm>>
        %dma_start3A_69 = arith.constant 0 : i32
        %dma_start3A_70 = tpu.memref_slice %arg3[%select_n3A, %dma_start3A_69, %add3A_58] : memref<8x3x65536xf32, #tpu.memory_space<hbm>> -> memref<1x3x1024xf32, #tpu.memory_space<hbm>>
        %dma_start3A_71 = tpu.memref_squeeze %dma_start3A_70 : memref<1x3x1024xf32, #tpu.memory_space<hbm>> -> memref<3x1024xf32, #tpu.memory_space<hbm>>
        tpu.enqueue_dma source(%dma_start3A_71 : memref<3x1024xf32, #tpu.memory_space<hbm>>) target(%arg6 : memref<3x1024xf32, #tpu.memory_space<vmem>>) target_semaphore(%run_scoped3A : memref<!tpu.dma_semaphore, #tpu.memory_space<semaphore_mem>>)
        %dma_wait3A = arith.constant 0 : i32
        %dma_wait3A_72 = tpu.memref_slice %arg3[%select_n3A, %dma_wait3A, %add3A_58] : memref<8x3x65536xf32, #tpu.memory_space<hbm>> -> memref<1x3x1024xf32, #tpu.memory_space<hbm>>
        %dma_wait3A_73 = tpu.memref_squeeze %dma_wait3A_72 : memref<1x3x1024xf32, #tpu.memory_space<hbm>> -> memref<3x1024xf32, #tpu.memory_space<hbm>>
        %dma_wait3A_74 = arith.constant 0 : i32
        %dma_wait3A_75 = tpu.memref_slice %arg3[%select_n3A, %dma_wait3A_74, %add3A_58] : memref<8x3x65536xf32, #tpu.memory_space<hbm>> -> memref<1x3x1024xf32, #tpu.memory_space<hbm>>
        %dma_wait3A_76 = tpu.memref_squeeze %dma_wait3A_75 : memref<1x3x1024xf32, #tpu.memory_space<hbm>> -> memref<3x1024xf32, #tpu.memory_space<hbm>>
        tpu.wait_dma2 semaphore(%run_scoped3A : memref<!tpu.dma_semaphore, #tpu.memory_space<semaphore_mem>>) src(%dma_wait3A_76 : memref<3x1024xf32, #tpu.memory_space<hbm>>) dst(%arg6 : memref<3x1024xf32, #tpu.memory_space<vmem>>)
        tpu.yield
      }) : () -> ()
      %parallel_loop3A_59 = arith.constant 0 : i32
      %parallel_loop3A_60 = arith.constant 64 : i32
      %parallel_loop3A_61 = arith.constant 1 : i32
      scf.for %parallel_loop3A_67 = %parallel_loop3A_59 to %parallel_loop3A_60 step %parallel_loop3A_61  : i32 {
        %parallel_loop3A_68 = arith.constant 16 : i32
        %parallel_loop3A_69 = arith.muli %parallel_loop3A_67, %parallel_loop3A_68 : i32
        %parallel_loop3A_70 = arith.constant 0 : i32
        %parallel_loop3A_71 = arith.index_cast %parallel_loop3A_70 : i32 to index
        %parallel_loop3A_72 = arith.index_cast %parallel_loop3A_69 : i32 to index
        %parallel_loop3A_73 = tpu.vector_load %arg6[%parallel_loop3A_71, %parallel_loop3A_72] {strides = array<i32>} : memref<3x1024xf32, #tpu.memory_space<vmem>>, vector<16xf32>,
        %parallel_loop3A_74 = arith.constant 3.200000e+01 : f32
        %parallel_loop3A_75 = vector.broadcast %parallel_loop3A_74 : f32 to vector<16xf32>
        %parallel_loop3A_76 = arith.mulf %parallel_loop3A_73, %parallel_loop3A_75 : vector<16xf32>
        %parallel_loop3A_77 = arith.constant 0.000000e+00 : f32
        %parallel_loop3A_78 = vector.broadcast %parallel_loop3A_77 : f32 to vector<16xf32>
        %parallel_loop3A_79 = arith.maximumf %parallel_loop3A_76, %parallel_loop3A_78 : vector<16xf32>
        %parallel_loop3A_80 = arith.constant 3.100000e+01 : f32
        %parallel_loop3A_81 = vector.broadcast %parallel_loop3A_80 : f32 to vector<16xf32>
        %parallel_loop3A_82 = arith.minimumf %parallel_loop3A_79, %parallel_loop3A_81 : vector<16xf32>
        %parallel_loop3A_83 = arith.constant 0 : i32
        %parallel_loop3A_84 = arith.index_cast %parallel_loop3A_83 : i32 to index
        %parallel_loop3A_85 = arith.index_cast %parallel_loop3A_69 : i32 to index
        %parallel_loop3A_86 = tpu.vector_load %arg6[%parallel_loop3A_84, %parallel_loop3A_85] {strides = array<i32>} : memref<3x1024xf32, #tpu.memory_space<vmem>>, vector<16xf32>,
        tpu.vector_store %arg6[%parallel_loop3A_84, %parallel_loop3A_85], %parallel_loop3A_82 {strides = array<i32>} : memref<3x1024xf32, #tpu.memory_space<vmem>>, vector<16xf32>,
        %parallel_loop3A_87 = arith.constant 0x4B000000 : f32
        %parallel_loop3A_88 = vector.broadcast %parallel_loop3A_87 : f32 to vector<16xf32>
        %parallel_loop3A_89 = arith.addf %parallel_loop3A_82, %parallel_loop3A_88 : vector<16xf32>
        %parallel_loop3A_90 = arith.constant 0x4B000000 : f32
        %parallel_loop3A_91 = vector.broadcast %parallel_loop3A_90 : f32 to vector<16xf32>
        %parallel_loop3A_92 = arith.subf %parallel_loop3A_89, %parallel_loop3A_91 : vector<16xf32>
        %parallel_loop3A_93 = arith.constant 1 : i32
        %parallel_loop3A_94 = arith.index_cast %parallel_loop3A_93 : i32 to index
        %parallel_loop3A_95 = arith.index_cast %parallel_loop3A_69 : i32 to index
        %parallel_loop3A_96 = tpu.vector_load %arg6[%parallel_loop3A_94, %parallel_loop3A_95] {strides = array<i32>} : memref<3x1024xf32, #tpu.memory_space<vmem>>, vector<16xf32>,
        %parallel_loop3A_97 = arith.constant 3.200000e+01 : f32
        %parallel_loop3A_98 = vector.broadcast %parallel_loop3A_97 : f32 to vector<16xf32>
        %parallel_loop3A_99 = arith.mulf %parallel_loop3A_96, %parallel_loop3A_98 : vector<16xf32>
        %parallel_loop3A_100 = arith.constant 0.000000e+00 : f32
        %parallel_loop3A_101 = vector.broadcast %parallel_loop3A_100 : f32 to vector<16xf32>
        %parallel_loop3A_102 = arith.maximumf %parallel_loop3A_99, %parallel_loop3A_101 : vector<16xf32>
        %parallel_loop3A_103 = arith.constant 3.100000e+01 : f32
        %parallel_loop3A_104 = vector.broadcast %parallel_loop3A_103 : f32 to vector<16xf32>
        %parallel_loop3A_105 = arith.minimumf %parallel_loop3A_102, %parallel_loop3A_104 : vector<16xf32>
        %parallel_loop3A_106 = arith.constant 1 : i32
        %parallel_loop3A_107 = arith.index_cast %parallel_loop3A_106 : i32 to index
        %parallel_loop3A_108 = arith.index_cast %parallel_loop3A_69 : i32 to index
        %parallel_loop3A_109 = tpu.vector_load %arg6[%parallel_loop3A_107, %parallel_loop3A_108] {strides = array<i32>} : memref<3x1024xf32, #tpu.memory_space<vmem>>, vector<16xf32>,
        tpu.vector_store %arg6[%parallel_loop3A_107, %parallel_loop3A_108], %parallel_loop3A_105 {strides = array<i32>} : memref<3x1024xf32, #tpu.memory_space<vmem>>, vector<16xf32>,
        %parallel_loop3A_110 = arith.constant 0x4B000000 : f32
        %parallel_loop3A_111 = vector.broadcast %parallel_loop3A_110 : f32 to vector<16xf32>
        %parallel_loop3A_112 = arith.addf %parallel_loop3A_105, %parallel_loop3A_111 : vector<16xf32>
        %parallel_loop3A_113 = arith.constant 0x4B000000 : f32
        %parallel_loop3A_114 = vector.broadcast %parallel_loop3A_113 : f32 to vector<16xf32>
        %parallel_loop3A_115 = arith.subf %parallel_loop3A_112, %parallel_loop3A_114 : vector<16xf32>
        %parallel_loop3A_116 = arith.constant 2 : i32
        %parallel_loop3A_117 = arith.index_cast %parallel_loop3A_116 : i32 to index
        %parallel_loop3A_118 = arith.index_cast %parallel_loop3A_69 : i32 to index
        %parallel_loop3A_119 = tpu.vector_load %arg6[%parallel_loop3A_117, %parallel_loop3A_118] {strides = array<i32>} : memref<3x1024xf32, #tpu.memory_space<vmem>>, vector<16xf32>,
        %parallel_loop3A_120 = arith.constant 3.200000e+01 : f32
        %parallel_loop3A_121 = vector.broadcast %parallel_loop3A_120 : f32 to vector<16xf32>
        %parallel_loop3A_122 = arith.mulf %parallel_loop3A_119, %parallel_loop3A_121 : vector<16xf32>
        %parallel_loop3A_123 = arith.constant 0.000000e+00 : f32
        %parallel_loop3A_124 = vector.broadcast %parallel_loop3A_123 : f32 to vector<16xf32>
        %parallel_loop3A_125 = arith.maximumf %parallel_loop3A_122, %parallel_loop3A_124 : vector<16xf32>
        %parallel_loop3A_126 = arith.constant 3.100000e+01 : f32
        %parallel_loop3A_127 = vector.broadcast %parallel_loop3A_126 : f32 to vector<16xf32>
        %parallel_loop3A_128 = arith.minimumf %parallel_loop3A_125, %parallel_loop3A_127 : vector<16xf32>
        %parallel_loop3A_129 = arith.constant 2 : i32
        %parallel_loop3A_130 = arith.index_cast %parallel_loop3A_129 : i32 to index
        %parallel_loop3A_131 = arith.index_cast %parallel_loop3A_69 : i32 to index
        %parallel_loop3A_132 = tpu.vector_load %arg6[%parallel_loop3A_130, %parallel_loop3A_131] {strides = array<i32>} : memref<3x1024xf32, #tpu.memory_space<vmem>>, vector<16xf32>,
        tpu.vector_store %arg6[%parallel_loop3A_130, %parallel_loop3A_131], %parallel_loop3A_128 {strides = array<i32>} : memref<3x1024xf32, #tpu.memory_space<vmem>>, vector<16xf32>,
        %parallel_loop3A_133 = arith.constant 0x4B000000 : f32
        %parallel_loop3A_134 = vector.broadcast %parallel_loop3A_133 : f32 to vector<16xf32>
        %parallel_loop3A_135 = arith.addf %parallel_loop3A_128, %parallel_loop3A_134 : vector<16xf32>
        %parallel_loop3A_136 = arith.constant 0x4B000000 : f32
        %parallel_loop3A_137 = vector.broadcast %parallel_loop3A_136 : f32 to vector<16xf32>
        %parallel_loop3A_138 = arith.subf %parallel_loop3A_135, %parallel_loop3A_137 : vector<16xf32>
        %parallel_loop3A_139 = arith.constant 1.024000e+03 : f32
        %parallel_loop3A_140 = vector.broadcast %parallel_loop3A_139 : f32 to vector<16xf32>
        %parallel_loop3A_141 = arith.mulf %parallel_loop3A_92, %parallel_loop3A_140 : vector<16xf32>
        %parallel_loop3A_142 = arith.constant 3.200000e+01 : f32
        %parallel_loop3A_143 = vector.broadcast %parallel_loop3A_142 : f32 to vector<16xf32>
        %parallel_loop3A_144 = arith.mulf %parallel_loop3A_115, %parallel_loop3A_143 : vector<16xf32>
        %parallel_loop3A_145 = arith.addf %parallel_loop3A_141, %parallel_loop3A_144 : vector<16xf32>
        %parallel_loop3A_146 = arith.addf %parallel_loop3A_145, %parallel_loop3A_138 : vector<16xf32>
        %parallel_loop3A_147 = arith.fptosi %parallel_loop3A_146 : vector<16xf32> to vector<16xi32>
        %parallel_loop3A_148 = arith.index_cast %parallel_loop3A_69 : i32 to index
        %parallel_loop3A_149 = tpu.vector_load %arg7[%parallel_loop3A_148] {strides = array<i32>} : memref<1024xi32, #tpu.memory_space<vmem>>, vector<16xi32>,
        tpu.vector_store %arg7[%parallel_loop3A_148], %parallel_loop3A_147 {strides = array<i32>} : memref<1024xi32, #tpu.memory_space<vmem>>, vector<16xi32>,
      } {sc.loop_unroll_factor = 4 : i64, sc.parallel_access}
      %eq3A_62 = arith.constant 0 : i32
      %eq3A_63 = arith.cmpi eq, %arg0, %eq3A_62 : i32
      %convert_element_type3A_64 = arith.extui %eq3A_63 : i1 to i32
      %cond3A_65 = arith.constant 0 : i32
      %cond3A_66 = arith.cmpi ne, %convert_element_type3A_64, %cond3A_65 : i32
      scf.if %cond3A_66 {
        "tpu.region"() ({
          %run_scoped3A = tpu.sem_alloc : memref<!tpu.dma_semaphore, #tpu.memory_space<semaphore_mem>>
          %dma_start3A = arith.constant 0 : i32
          %dma_start3A_67 = tpu.memref_slice %arg5[%select_n3A, %dma_start3A, %add3A_58] : memref<8x3x65536xf32, #tpu.memory_space<hbm>> -> memref<1x3x1024xf32, #tpu.memory_space<hbm>>
          %dma_start3A_68 = tpu.memref_squeeze %dma_start3A_67 : memref<1x3x1024xf32, #tpu.memory_space<hbm>> -> memref<3x1024xf32, #tpu.memory_space<hbm>>
          %dma_start3A_69 = arith.constant 0 : i32
          %dma_start3A_70 = tpu.memref_slice %arg5[%select_n3A, %dma_start3A_69, %add3A_58] : memref<8x3x65536xf32, #tpu.memory_space<hbm>> -> memref<1x3x1024xf32, #tpu.memory_space<hbm>>
          %dma_start3A_71 = tpu.memref_squeeze %dma_start3A_70 : memref<1x3x1024xf32, #tpu.memory_space<hbm>> -> memref<3x1024xf32, #tpu.memory_space<hbm>>
          tpu.enqueue_dma source(%arg6 : memref<3x1024xf32, #tpu.memory_space<vmem>>) target(%dma_start3A_71 : memref<3x1024xf32, #tpu.memory_space<hbm>>) target_semaphore(%run_scoped3A : memref<!tpu.dma_semaphore, #tpu.memory_space<semaphore_mem>>)
          %dma_wait3A = arith.constant 0 : i32
          %dma_wait3A_72 = tpu.memref_slice %arg5[%select_n3A, %dma_wait3A, %add3A_58] : memref<8x3x65536xf32, #tpu.memory_space<hbm>> -> memref<1x3x1024xf32, #tpu.memory_space<hbm>>
          %dma_wait3A_73 = tpu.memref_squeeze %dma_wait3A_72 : memref<1x3x1024xf32, #tpu.memory_space<hbm>> -> memref<3x1024xf32, #tpu.memory_space<hbm>>
          %dma_wait3A_74 = arith.constant 0 : i32
          %dma_wait3A_75 = tpu.memref_slice %arg5[%select_n3A, %dma_wait3A_74, %add3A_58] : memref<8x3x65536xf32, #tpu.memory_space<hbm>> -> memref<1x3x1024xf32, #tpu.memory_space<hbm>>
          %dma_wait3A_76 = tpu.memref_squeeze %dma_wait3A_75 : memref<1x3x1024xf32, #tpu.memory_space<hbm>> -> memref<3x1024xf32, #tpu.memory_space<hbm>>
          tpu.wait_dma2 semaphore(%run_scoped3A : memref<!tpu.dma_semaphore, #tpu.memory_space<semaphore_mem>>) src(%arg6 : memref<3x1024xf32, #tpu.memory_space<vmem>>) dst(%dma_wait3A_76 : memref<3x1024xf32, #tpu.memory_space<hbm>>)
          tpu.yield
        }) : () -> ()
      } else {
      }
      "tpu.region"() ({
        %run_scoped3A = tpu.sem_alloc : memref<!tpu.dma_semaphore, #tpu.memory_space<semaphore_mem>>
        %dma_start3A = tpu.memref_slice %arg20[%select_n3A, %add3A_58] : memref<8x65536xi32, #tpu.memory_space<vmem_shared>> -> memref<1x1024xi32, #tpu.memory_space<vmem_shared>>
        %dma_start3A_67 = tpu.memref_squeeze %dma_start3A : memref<1x1024xi32, #tpu.memory_space<vmem_shared>> -> memref<1024xi32, #tpu.memory_space<vmem_shared>>
        %dma_start3A_68 = tpu.memref_slice %arg20[%select_n3A, %add3A_58] : memref<8x65536xi32, #tpu.memory_space<vmem_shared>> -> memref<1x1024xi32, #tpu.memory_space<vmem_shared>>
        %dma_start3A_69 = tpu.memref_squeeze %dma_start3A_68 : memref<1x1024xi32, #tpu.memory_space<vmem_shared>> -> memref<1024xi32, #tpu.memory_space<vmem_shared>>
        tpu.enqueue_dma source(%arg7 : memref<1024xi32, #tpu.memory_space<vmem>>) target(%dma_start3A_69 : memref<1024xi32, #tpu.memory_space<vmem_shared>>) target_semaphore(%run_scoped3A : memref<!tpu.dma_semaphore, #tpu.memory_space<semaphore_mem>>)
        %dma_wait3A = tpu.memref_slice %arg20[%select_n3A, %add3A_58] : memref<8x65536xi32, #tpu.memory_space<vmem_shared>> -> memref<1x1024xi32, #tpu.memory_space<vmem_shared>>
        %dma_wait3A_70 = tpu.memref_squeeze %dma_wait3A : memref<1x1024xi32, #tpu.memory_space<vmem_shared>> -> memref<1024xi32, #tpu.memory_space<vmem_shared>>
        %dma_wait3A_71 = tpu.memref_slice %arg20[%select_n3A, %add3A_58] : memref<8x65536xi32, #tpu.memory_space<vmem_shared>> -> memref<1x1024xi32, #tpu.memory_space<vmem_shared>>
        %dma_wait3A_72 = tpu.memref_squeeze %dma_wait3A_71 : memref<1x1024xi32, #tpu.memory_space<vmem_shared>> -> memref<1024xi32, #tpu.memory_space<vmem_shared>>
        tpu.wait_dma2 semaphore(%run_scoped3A : memref<!tpu.dma_semaphore, #tpu.memory_space<semaphore_mem>>) src(%arg7 : memref<1024xi32, #tpu.memory_space<vmem>>) dst(%dma_wait3A_72 : memref<1024xi32, #tpu.memory_space<vmem_shared>>)
        tpu.yield
      }) : () -> ()
    }
    %scan3A_7 = arith.constant 32 : i32
    %barrier3A = arith.constant 0 : index
    tpu.barrier barrier_id(%barrier3A)
    %lt3A = arith.constant 8 : i32
    %lt3A_8 = arith.cmpi slt, %arg1, %lt3A : i32
    %convert_element_type3A = arith.extui %lt3A_8 : i1 to i32
    %cond3A = arith.constant 0 : i32
    %cond3A_9 = arith.cmpi ne, %convert_element_type3A, %cond3A : i32
    scf.if %cond3A_9 {
      %parallel_loop3A_22 = arith.constant 0 : i32
      %parallel_loop3A_23 = arith.constant 2048 : i32
      %parallel_loop3A_24 = arith.constant 1 : i32
      scf.for %parallel_loop3A_34 = %parallel_loop3A_22 to %parallel_loop3A_23 step %parallel_loop3A_24  : i32 {
        %parallel_loop3A_35 = arith.constant 16 : i32
        %parallel_loop3A_36 = arith.muli %parallel_loop3A_34, %parallel_loop3A_35 : i32
        %parallel_loop3A_37 = arith.index_cast %parallel_loop3A_36 : i32 to index
        %parallel_loop3A_38 = tpu.vector_load %arg8[%parallel_loop3A_37] {strides = array<i32>} : memref<32768xf32, #tpu.memory_space<vmem>>, vector<16xf32>,
        tpu.vector_store %arg8[%parallel_loop3A_37], %broadcast_in_dim3A_0 {strides = array<i32>} : memref<32768xf32, #tpu.memory_space<vmem>>, vector<16xf32>,
      } {sc.loop_unroll_factor = 8 : i64, sc.parallel_access}
      %scan3A_25 = arith.constant 0 : i32
      %scan3A_26 = arith.constant 0 : i32
      %scan3A_27 = arith.constant 128 : i32
      %scan3A_28 = arith.addi %scan3A_26, %scan3A_27 : i32
      %scan3A_29 = arith.constant 1 : i32
      scf.for %scan3A_34 = %scan3A_26 to %scan3A_28 step %scan3A_29  : i32 {
        %mul3A_35 = arith.constant 512 : i32
        %mul3A_36 = arith.muli %scan3A_34, %mul3A_35 : i32
        %run_scoped3A = arith.constant 0 : i32
        "tpu.region"() ({
          %run_scoped3A_40 = tpu.sem_alloc : memref<!tpu.dma_semaphore, #tpu.memory_space<semaphore_mem>>
          %dma_start3A = arith.constant 0 : i32
          %dma_start3A_41 = tpu.memref_slice %arg11[%run_scoped3A, %dma_start3A] : memref<2x512xi32, #tpu.memory_space<vmem>> -> memref<1x512xi32, #tpu.memory_space<vmem>>
          %dma_start3A_42 = tpu.memref_squeeze %dma_start3A_41 : memref<1x512xi32, #tpu.memory_space<vmem>> -> memref<512xi32, #tpu.memory_space<vmem>>
          %dma_start3A_43 = tpu.memref_slice %arg20[%arg1, %mul3A_36] : memref<8x65536xi32, #tpu.memory_space<vmem_shared>> -> memref<1x512xi32, #tpu.memory_space<vmem_shared>>
          %dma_start3A_44 = tpu.memref_squeeze %dma_start3A_43 : memref<1x512xi32, #tpu.memory_space<vmem_shared>> -> memref<512xi32, #tpu.memory_space<vmem_shared>>
          %dma_start3A_45 = arith.constant 0 : i32
          %dma_start3A_46 = tpu.memref_slice %arg11[%run_scoped3A, %dma_start3A_45] : memref<2x512xi32, #tpu.memory_space<vmem>> -> memref<1x512xi32, #tpu.memory_space<vmem>>
          %dma_start3A_47 = tpu.memref_squeeze %dma_start3A_46 : memref<1x512xi32, #tpu.memory_space<vmem>> -> memref<512xi32, #tpu.memory_space<vmem>>
          %dma_start3A_48 = tpu.memref_slice %arg20[%arg1, %mul3A_36] : memref<8x65536xi32, #tpu.memory_space<vmem_shared>> -> memref<1x512xi32, #tpu.memory_space<vmem_shared>>
          %dma_start3A_49 = tpu.memref_squeeze %dma_start3A_48 : memref<1x512xi32, #tpu.memory_space<vmem_shared>> -> memref<512xi32, #tpu.memory_space<vmem_shared>>
          tpu.enqueue_dma source(%dma_start3A_49 : memref<512xi32, #tpu.memory_space<vmem_shared>>) target(%dma_start3A_47 : memref<512xi32, #tpu.memory_space<vmem>>) target_semaphore(%run_scoped3A_40 : memref<!tpu.dma_semaphore, #tpu.memory_space<semaphore_mem>>)
          %dma_wait3A = arith.constant 0 : i32
          %dma_wait3A_50 = tpu.memref_slice %arg11[%run_scoped3A, %dma_wait3A] : memref<2x512xi32, #tpu.memory_space<vmem>> -> memref<1x512xi32, #tpu.memory_space<vmem>>
          %dma_wait3A_51 = tpu.memref_squeeze %dma_wait3A_50 : memref<1x512xi32, #tpu.memory_space<vmem>> -> memref<512xi32, #tpu.memory_space<vmem>>
          %dma_wait3A_52 = tpu.memref_slice %arg20[%arg1, %mul3A_36] : memref<8x65536xi32, #tpu.memory_space<vmem_shared>> -> memref<1x512xi32, #tpu.memory_space<vmem_shared>>
          %dma_wait3A_53 = tpu.memref_squeeze %dma_wait3A_52 : memref<1x512xi32, #tpu.memory_space<vmem_shared>> -> memref<512xi32, #tpu.memory_space<vmem_shared>>
          %dma_wait3A_54 = arith.constant 0 : i32
          %dma_wait3A_55 = tpu.memref_slice %arg11[%run_scoped3A, %dma_wait3A_54] : memref<2x512xi32, #tpu.memory_space<vmem>> -> memref<1x512xi32, #tpu.memory_space<vmem>>
          %dma_wait3A_56 = tpu.memref_squeeze %dma_wait3A_55 : memref<1x512xi32, #tpu.memory_space<vmem>> -> memref<512xi32, #tpu.memory_space<vmem>>
          %dma_wait3A_57 = tpu.memref_slice %arg20[%arg1, %mul3A_36] : memref<8x65536xi32, #tpu.memory_space<vmem_shared>> -> memref<1x512xi32, #tpu.memory_space<vmem_shared>>
          %dma_wait3A_58 = tpu.memref_squeeze %dma_wait3A_57 : memref<1x512xi32, #tpu.memory_space<vmem_shared>> -> memref<512xi32, #tpu.memory_space<vmem_shared>>
          tpu.wait_dma2 semaphore(%run_scoped3A_40 : memref<!tpu.dma_semaphore, #tpu.memory_space<semaphore_mem>>) src(%dma_wait3A_58 : memref<512xi32, #tpu.memory_space<vmem_shared>>) dst(%dma_wait3A_56 : memref<512xi32, #tpu.memory_space<vmem>>)
          tpu.yield
        }) : () -> ()
        %parallel_loop3A_37 = arith.constant 0 : i32
        %parallel_loop3A_38 = arith.constant 32 : i32
        %parallel_loop3A_39 = arith.constant 1 : i32
        scf.for %parallel_loop3A_40 = %parallel_loop3A_37 to %parallel_loop3A_38 step %parallel_loop3A_39  : i32 {
          %parallel_loop3A_41 = arith.constant 16 : i32
          %parallel_loop3A_42 = arith.muli %parallel_loop3A_40, %parallel_loop3A_41 : i32
          %parallel_loop3A_43 = arith.constant 0 : i32
          %parallel_loop3A_44 = arith.index_cast %parallel_loop3A_43 : i32 to index
          %parallel_loop3A_45 = arith.index_cast %parallel_loop3A_42 : i32 to index
          %parallel_loop3A_46 = tpu.vector_load %arg11[%parallel_loop3A_44, %parallel_loop3A_45] {strides = array<i32>} : memref<2x512xi32, #tpu.memory_space<vmem>>, vector<16xi32>,
          tpu.vector_store_idx %arg8[%parallel_loop3A_46], %broadcast_in_dim3A_2 {add = true} : memref<32768xf32, #tpu.memory_space<vmem>>[vector<16xi32>], vector<16xf32>,
        } {sc.loop_unroll_factor = 8 : i64, sc.parallel_access}
      }
      %scan3A_30 = arith.constant 128 : i32
      %parallel_loop3A_31 = arith.constant 0 : i32
      %parallel_loop3A_32 = arith.constant 2048 : i32
      %parallel_loop3A_33 = arith.constant 1 : i32
      scf.for %parallel_loop3A_34 = %parallel_loop3A_31 to %parallel_loop3A_32 step %parallel_loop3A_33  : i32 {
        %parallel_loop3A_35 = arith.constant 16 : i32
        %parallel_loop3A_36 = arith.muli %parallel_loop3A_34, %parallel_loop3A_35 : i32
        %parallel_loop3A_37 = arith.index_cast %parallel_loop3A_36 : i32 to index
        %parallel_loop3A_38 = tpu.vector_load %arg8[%parallel_loop3A_37] {strides = array<i32>} : memref<32768xf32, #tpu.memory_space<vmem>>, vector<16xf32>,
        %parallel_loop3A_39 = arith.constant 1.000000e+00 : f32
        %parallel_loop3A_40 = vector.broadcast %parallel_loop3A_39 : f32 to vector<16xf32>
        %parallel_loop3A_41 = arith.maximumf %parallel_loop3A_38, %parallel_loop3A_40 : vector<16xf32>
        %parallel_loop3A_42 = arith.constant 1.000000e+00 : f32
        %parallel_loop3A_43 = vector.broadcast %parallel_loop3A_42 : f32 to vector<16xf32>
        %parallel_loop3A_44 = arith.divf %parallel_loop3A_43, %parallel_loop3A_41 : vector<16xf32>
        %parallel_loop3A_45 = arith.index_cast %parallel_loop3A_36 : i32 to index
        %parallel_loop3A_46 = tpu.vector_load %arg9[%parallel_loop3A_45] {strides = array<i32>} : memref<32768xf32, #tpu.memory_space<vmem>>, vector<16xf32>,
        tpu.vector_store %arg9[%parallel_loop3A_45], %parallel_loop3A_44 {strides = array<i32>} : memref<32768xf32, #tpu.memory_space<vmem>>, vector<16xf32>,
      } {sc.loop_unroll_factor = 4 : i64, sc.parallel_access}
      "tpu.region"() ({
        %run_scoped3A = tpu.sem_alloc : memref<!tpu.dma_semaphore, #tpu.memory_space<semaphore_mem>>
        %dma_start3A = arith.constant 0 : i32
        %dma_start3A_34 = tpu.memref_slice %arg21[%arg1, %dma_start3A] : memref<8x32768xf32, #tpu.memory_space<vmem_shared>> -> memref<1x32768xf32, #tpu.memory_space<vmem_shared>>
        %dma_start3A_35 = tpu.memref_squeeze %dma_start3A_34 : memref<1x32768xf32, #tpu.memory_space<vmem_shared>> -> memref<32768xf32, #tpu.memory_space<vmem_shared>>
        %dma_start3A_36 = arith.constant 0 : i32
        %dma_start3A_37 = tpu.memref_slice %arg21[%arg1, %dma_start3A_36] : memref<8x32768xf32, #tpu.memory_space<vmem_shared>> -> memref<1x32768xf32, #tpu.memory_space<vmem_shared>>
        %dma_start3A_38 = tpu.memref_squeeze %dma_start3A_37 : memref<1x32768xf32, #tpu.memory_space<vmem_shared>> -> memref<32768xf32, #tpu.memory_space<vmem_shared>>
        tpu.enqueue_dma source(%arg9 : memref<32768xf32, #tpu.memory_space<vmem>>) target(%dma_start3A_38 : memref<32768xf32, #tpu.memory_space<vmem_shared>>) target_semaphore(%run_scoped3A : memref<!tpu.dma_semaphore, #tpu.memory_space<semaphore_mem>>)
        %dma_wait3A = arith.constant 0 : i32
        %dma_wait3A_39 = tpu.memref_slice %arg21[%arg1, %dma_wait3A] : memref<8x32768xf32, #tpu.memory_space<vmem_shared>> -> memref<1x32768xf32, #tpu.memory_space<vmem_shared>>
        %dma_wait3A_40 = tpu.memref_squeeze %dma_wait3A_39 : memref<1x32768xf32, #tpu.memory_space<vmem_shared>> -> memref<32768xf32, #tpu.memory_space<vmem_shared>>
        %dma_wait3A_41 = arith.constant 0 : i32
        %dma_wait3A_42 = tpu.memref_slice %arg21[%arg1, %dma_wait3A_41] : memref<8x32768xf32, #tpu.memory_space<vmem_shared>> -> memref<1x32768xf32, #tpu.memory_space<vmem_shared>>
        %dma_wait3A_43 = tpu.memref_squeeze %dma_wait3A_42 : memref<1x32768xf32, #tpu.memory_space<vmem_shared>> -> memref<32768xf32, #tpu.memory_space<vmem_shared>>
        tpu.wait_dma2 semaphore(%run_scoped3A : memref<!tpu.dma_semaphore, #tpu.memory_space<semaphore_mem>>) src(%arg9 : memref<32768xf32, #tpu.memory_space<vmem>>) dst(%dma_wait3A_43 : memref<32768xf32, #tpu.memory_space<vmem_shared>>)
        tpu.yield
      }) : () -> ()
    } else {
    }
    %barrier3A_10 = arith.constant 0 : index
    tpu.barrier barrier_id(%barrier3A_10)
    %mul3A = arith.constant 32 : i32
    %mul3A_11 = arith.muli %arg0, %mul3A : i32
    %mul3A_12 = arith.constant 2 : i32
    %mul3A_13 = arith.muli %mul3A_12, %arg1 : i32
    %add3A = arith.addi %mul3A_11, %mul3A_13 : i32
    %parallel_loop3A = arith.constant 0 : i32
    %parallel_loop3A_14 = arith.constant 2048 : i32
    %parallel_loop3A_15 = arith.constant 1 : i32
    scf.for %parallel_loop3A_22 = %parallel_loop3A to %parallel_loop3A_14 step %parallel_loop3A_15  : i32 {
      %parallel_loop3A_23 = arith.constant 16 : i32
      %parallel_loop3A_24 = arith.muli %parallel_loop3A_22, %parallel_loop3A_23 : i32
      %parallel_loop3A_25 = arith.index_cast %parallel_loop3A_24 : i32 to index
      %parallel_loop3A_26 = tpu.vector_load %arg8[%parallel_loop3A_25] {strides = array<i32>} : memref<32768xf32, #tpu.memory_space<vmem>>, vector<16xf32>,
      tpu.vector_store %arg8[%parallel_loop3A_25], %broadcast_in_dim3A_0 {strides = array<i32>} : memref<32768xf32, #tpu.memory_space<vmem>>, vector<16xf32>,
      %parallel_loop3A_27 = arith.index_cast %parallel_loop3A_24 : i32 to index
      %parallel_loop3A_28 = tpu.vector_load %arg9[%parallel_loop3A_27] {strides = array<i32>} : memref<32768xf32, #tpu.memory_space<vmem>>, vector<16xf32>,
      tpu.vector_store %arg9[%parallel_loop3A_27], %broadcast_in_dim3A_0 {strides = array<i32>} : memref<32768xf32, #tpu.memory_space<vmem>>, vector<16xf32>,
    } {sc.loop_unroll_factor = 8 : i64, sc.parallel_access}
    %scan3A_16 = arith.constant 0 : i32
    %scan3A_17 = arith.constant 0 : i32
    %scan3A_18 = arith.constant 8 : i32
    %scan3A_19 = arith.addi %scan3A_17, %scan3A_18 : i32
    %scan3A_20 = arith.constant 1 : i32
    scf.for %scan3A_22 = %scan3A_17 to %scan3A_19 step %scan3A_20  : i32 {
      %dma_start3A = arith.constant 0 : i32
      %dma_start3A_23 = arith.constant 0 : i32
      %dma_start3A_24 = arith.constant 0 : i32
      %dma_start3A_25 = tpu.memref_slice %arg10[%dma_start3A, %dma_start3A_23, %dma_start3A_24] : memref<2x2x512xf32, #tpu.memory_space<vmem>> -> memref<1x2x512xf32, #tpu.memory_space<vmem>>
      %dma_start3A_26 = tpu.memref_squeeze %dma_start3A_25 : memref<1x2x512xf32, #tpu.memory_space<vmem>> -> memref<2x512xf32, #tpu.memory_space<vmem>>
      %dma_start3A_27 = arith.constant 0 : i32
      %dma_start3A_28 = tpu.memref_slice %arg2[%scan3A_22, %add3A, %dma_start3A_27] : memref<8x64x65536xf32, #tpu.memory_space<hbm>> -> memref<1x2x512xf32, #tpu.memory_space<hbm>>
      %dma_start3A_29 = tpu.memref_squeeze %dma_start3A_28 : memref<1x2x512xf32, #tpu.memory_space<hbm>> -> memref<2x512xf32, #tpu.memory_space<hbm>>
      %dma_start3A_30 = arith.constant 0 : i32
      %dma_start3A_31 = arith.constant 0 : i32
      %dma_start3A_32 = tpu.memref_slice %arg10[%dma_start3A, %dma_start3A_30, %dma_start3A_31] : memref<2x2x512xf32, #tpu.memory_space<vmem>> -> memref<1x2x512xf32, #tpu.memory_space<vmem>>
      %dma_start3A_33 = tpu.memref_squeeze %dma_start3A_32 : memref<1x2x512xf32, #tpu.memory_space<vmem>> -> memref<2x512xf32, #tpu.memory_space<vmem>>
      %dma_start3A_34 = arith.constant 0 : i32
      %dma_start3A_35 = tpu.memref_slice %arg2[%scan3A_22, %add3A, %dma_start3A_34] : memref<8x64x65536xf32, #tpu.memory_space<hbm>> -> memref<1x2x512xf32, #tpu.memory_space<hbm>>
      %dma_start3A_36 = tpu.memref_squeeze %dma_start3A_35 : memref<1x2x512xf32, #tpu.memory_space<hbm>> -> memref<2x512xf32, #tpu.memory_space<hbm>>
      tpu.enqueue_dma source(%dma_start3A_36 : memref<2x512xf32, #tpu.memory_space<hbm>>) target(%dma_start3A_33 : memref<2x512xf32, #tpu.memory_space<vmem>>) target_semaphore(%arg14 : memref<!tpu.dma_semaphore, #tpu.memory_space<semaphore_mem>>)
      %dma_start3A_37 = arith.constant 0 : i32
      %dma_start3A_38 = arith.constant 0 : i32
      %dma_start3A_39 = tpu.memref_slice %arg11[%dma_start3A_37, %dma_start3A_38] : memref<2x512xi32, #tpu.memory_space<vmem>> -> memref<1x512xi32, #tpu.memory_space<vmem>>
      %dma_start3A_40 = tpu.memref_squeeze %dma_start3A_39 : memref<1x512xi32, #tpu.memory_space<vmem>> -> memref<512xi32, #tpu.memory_space<vmem>>
      %dma_start3A_41 = arith.constant 0 : i32
      %dma_start3A_42 = tpu.memref_slice %arg20[%scan3A_22, %dma_start3A_41] : memref<8x65536xi32, #tpu.memory_space<vmem_shared>> -> memref<1x512xi32, #tpu.memory_space<vmem_shared>>
      %dma_start3A_43 = tpu.memref_squeeze %dma_start3A_42 : memref<1x512xi32, #tpu.memory_space<vmem_shared>> -> memref<512xi32, #tpu.memory_space<vmem_shared>>
      %dma_start3A_44 = arith.constant 0 : i32
      %dma_start3A_45 = tpu.memref_slice %arg11[%dma_start3A_37, %dma_start3A_44] : memref<2x512xi32, #tpu.memory_space<vmem>> -> memref<1x512xi32, #tpu.memory_space<vmem>>
      %dma_start3A_46 = tpu.memref_squeeze %dma_start3A_45 : memref<1x512xi32, #tpu.memory_space<vmem>> -> memref<512xi32, #tpu.memory_space<vmem>>
      %dma_start3A_47 = arith.constant 0 : i32
      %dma_start3A_48 = tpu.memref_slice %arg20[%scan3A_22, %dma_start3A_47] : memref<8x65536xi32, #tpu.memory_space<vmem_shared>> -> memref<1x512xi32, #tpu.memory_space<vmem_shared>>
      %dma_start3A_49 = tpu.memref_squeeze %dma_start3A_48 : memref<1x512xi32, #tpu.memory_space<vmem_shared>> -> memref<512xi32, #tpu.memory_space<vmem_shared>>
      tpu.enqueue_dma source(%dma_start3A_49 : memref<512xi32, #tpu.memory_space<vmem_shared>>) target(%dma_start3A_46 : memref<512xi32, #tpu.memory_space<vmem>>) target_semaphore(%arg16 : memref<!tpu.dma_semaphore, #tpu.memory_space<semaphore_mem>>)
      %scan3A_50 = arith.constant 0 : i32
      %scan3A_51 = arith.constant 0 : i32
      %scan3A_52 = arith.constant 64 : i32
      %scan3A_53 = arith.addi %scan3A_51, %scan3A_52 : i32
      %scan3A_54 = arith.constant 1 : i32
      scf.for %scan3A_91 = %scan3A_51 to %scan3A_53 step %scan3A_54  : i32 {
        %mul3A_92 = arith.constant 2 : i32
        %mul3A_93 = arith.muli %scan3A_91, %mul3A_92 : i32
        %add3A_94 = arith.constant 1 : i32
        %add3A_95 = arith.addi %mul3A_93, %add3A_94 : i32
        %mul3A_96 = arith.constant 512 : i32
        %mul3A_97 = arith.muli %add3A_95, %mul3A_96 : i32
        %dma_start3A_98 = arith.constant 1 : i32
        %dma_start3A_99 = arith.constant 0 : i32
        %dma_start3A_100 = arith.constant 0 : i32
        %dma_start3A_101 = tpu.memref_slice %arg10[%dma_start3A_98, %dma_start3A_99, %dma_start3A_100] : memref<2x2x512xf32, #tpu.memory_space<vmem>> -> memref<1x2x512xf32, #tpu.memory_space<vmem>>
        %dma_start3A_102 = tpu.memref_squeeze %dma_start3A_101 : memref<1x2x512xf32, #tpu.memory_space<vmem>> -> memref<2x512xf32, #tpu.memory_space<vmem>>
        %dma_start3A_103 = tpu.memref_slice %arg2[%scan3A_22, %add3A, %mul3A_97] : memref<8x64x65536xf32, #tpu.memory_space<hbm>> -> memref<1x2x512xf32, #tpu.memory_space<hbm>>
        %dma_start3A_104 = tpu.memref_squeeze %dma_start3A_103 : memref<1x2x512xf32, #tpu.memory_space<hbm>> -> memref<2x512xf32, #tpu.memory_space<hbm>>
        %dma_start3A_105 = arith.constant 0 : i32
        %dma_start3A_106 = arith.constant 0 : i32
        %dma_start3A_107 = tpu.memref_slice %arg10[%dma_start3A_98, %dma_start3A_105, %dma_start3A_106] : memref<2x2x512xf32, #tpu.memory_space<vmem>> -> memref<1x2x512xf32, #tpu.memory_space<vmem>>
        %dma_start3A_108 = tpu.memref_squeeze %dma_start3A_107 : memref<1x2x512xf32, #tpu.memory_space<vmem>> -> memref<2x512xf32, #tpu.memory_space<vmem>>
        %dma_start3A_109 = tpu.memref_slice %arg2[%scan3A_22, %add3A, %mul3A_97] : memref<8x64x65536xf32, #tpu.memory_space<hbm>> -> memref<1x2x512xf32, #tpu.memory_space<hbm>>
        %dma_start3A_110 = tpu.memref_squeeze %dma_start3A_109 : memref<1x2x512xf32, #tpu.memory_space<hbm>> -> memref<2x512xf32, #tpu.memory_space<hbm>>
        tpu.enqueue_dma source(%dma_start3A_110 : memref<2x512xf32, #tpu.memory_space<hbm>>) target(%dma_start3A_108 : memref<2x512xf32, #tpu.memory_space<vmem>>) target_semaphore(%arg15 : memref<!tpu.dma_semaphore, #tpu.memory_space<semaphore_mem>>)
        %mul3A_111 = arith.constant 512 : i32
        %mul3A_112 = arith.muli %add3A_95, %mul3A_111 : i32
        %dma_start3A_113 = arith.constant 1 : i32
        %dma_start3A_114 = arith.constant 0 : i32
        %dma_start3A_115 = tpu.memref_slice %arg11[%dma_start3A_113, %dma_start3A_114] : memref<2x512xi32, #tpu.memory_space<vmem>> -> memref<1x512xi32, #tpu.memory_space<vmem>>
        %dma_start3A_116 = tpu.memref_squeeze %dma_start3A_115 : memref<1x512xi32, #tpu.memory_space<vmem>> -> memref<512xi32, #tpu.memory_space<vmem>>
        %dma_start3A_117 = tpu.memref_slice %arg20[%scan3A_22, %mul3A_112] : memref<8x65536xi32, #tpu.memory_space<vmem_shared>> -> memref<1x512xi32, #tpu.memory_space<vmem_shared>>
        %dma_start3A_118 = tpu.memref_squeeze %dma_start3A_117 : memref<1x512xi32, #tpu.memory_space<vmem_shared>> -> memref<512xi32, #tpu.memory_space<vmem_shared>>
        %dma_start3A_119 = arith.constant 0 : i32
        %dma_start3A_120 = tpu.memref_slice %arg11[%dma_start3A_113, %dma_start3A_119] : memref<2x512xi32, #tpu.memory_space<vmem>> -> memref<1x512xi32, #tpu.memory_space<vmem>>
        %dma_start3A_121 = tpu.memref_squeeze %dma_start3A_120 : memref<1x512xi32, #tpu.memory_space<vmem>> -> memref<512xi32, #tpu.memory_space<vmem>>
        %dma_start3A_122 = tpu.memref_slice %arg20[%scan3A_22, %mul3A_112] : memref<8x65536xi32, #tpu.memory_space<vmem_shared>> -> memref<1x512xi32, #tpu.memory_space<vmem_shared>>
        %dma_start3A_123 = tpu.memref_squeeze %dma_start3A_122 : memref<1x512xi32, #tpu.memory_space<vmem_shared>> -> memref<512xi32, #tpu.memory_space<vmem_shared>>
        tpu.enqueue_dma source(%dma_start3A_123 : memref<512xi32, #tpu.memory_space<vmem_shared>>) target(%dma_start3A_121 : memref<512xi32, #tpu.memory_space<vmem>>) target_semaphore(%arg17 : memref<!tpu.dma_semaphore, #tpu.memory_space<semaphore_mem>>)
        %mul3A_124 = arith.constant 512 : i32
        %mul3A_125 = arith.muli %mul3A_93, %mul3A_124 : i32
        %dma_wait3A_126 = arith.constant 0 : i32
        %dma_wait3A_127 = arith.constant 0 : i32
        %dma_wait3A_128 = arith.constant 0 : i32
        %dma_wait3A_129 = tpu.memref_slice %arg10[%dma_wait3A_126, %dma_wait3A_127, %dma_wait3A_128] : memref<2x2x512xf32, #tpu.memory_space<vmem>> -> memref<1x2x512xf32, #tpu.memory_space<vmem>>
        %dma_wait3A_130 = tpu.memref_squeeze %dma_wait3A_129 : memref<1x2x512xf32, #tpu.memory_space<vmem>> -> memref<2x512xf32, #tpu.memory_space<vmem>>
        %dma_wait3A_131 = tpu.memref_slice %arg2[%scan3A_22, %add3A, %mul3A_125] : memref<8x64x65536xf32, #tpu.memory_space<hbm>> -> memref<1x2x512xf32, #tpu.memory_space<hbm>>
        %dma_wait3A_132 = tpu.memref_squeeze %dma_wait3A_131 : memref<1x2x512xf32, #tpu.memory_space<hbm>> -> memref<2x512xf32, #tpu.memory_space<hbm>>
        %dma_wait3A_133 = arith.constant 0 : i32
        %dma_wait3A_134 = arith.constant 0 : i32
        %dma_wait3A_135 = tpu.memref_slice %arg10[%dma_wait3A_126, %dma_wait3A_133, %dma_wait3A_134] : memref<2x2x512xf32, #tpu.memory_space<vmem>> -> memref<1x2x512xf32, #tpu.memory_space<vmem>>
        %dma_wait3A_136 = tpu.memref_squeeze %dma_wait3A_135 : memref<1x2x512xf32, #tpu.memory_space<vmem>> -> memref<2x512xf32, #tpu.memory_space<vmem>>
        %dma_wait3A_137 = tpu.memref_slice %arg2[%scan3A_22, %add3A, %mul3A_125] : memref<8x64x65536xf32, #tpu.memory_space<hbm>> -> memref<1x2x512xf32, #tpu.memory_space<hbm>>
        %dma_wait3A_138 = tpu.memref_squeeze %dma_wait3A_137 : memref<1x2x512xf32, #tpu.memory_space<hbm>> -> memref<2x512xf32, #tpu.memory_space<hbm>>
        tpu.wait_dma2 semaphore(%arg14 : memref<!tpu.dma_semaphore, #tpu.memory_space<semaphore_mem>>) src(%dma_wait3A_138 : memref<2x512xf32, #tpu.memory_space<hbm>>) dst(%dma_wait3A_136 : memref<2x512xf32, #tpu.memory_space<vmem>>)
        %mul3A_139 = arith.constant 512 : i32
        %mul3A_140 = arith.muli %mul3A_93, %mul3A_139 : i32
        %dma_wait3A_141 = arith.constant 0 : i32
        %dma_wait3A_142 = arith.constant 0 : i32
        %dma_wait3A_143 = tpu.memref_slice %arg11[%dma_wait3A_141, %dma_wait3A_142] : memref<2x512xi32, #tpu.memory_space<vmem>> -> memref<1x512xi32, #tpu.memory_space<vmem>>
        %dma_wait3A_144 = tpu.memref_squeeze %dma_wait3A_143 : memref<1x512xi32, #tpu.memory_space<vmem>> -> memref<512xi32, #tpu.memory_space<vmem>>
        %dma_wait3A_145 = tpu.memref_slice %arg20[%scan3A_22, %mul3A_140] : memref<8x65536xi32, #tpu.memory_space<vmem_shared>> -> memref<1x512xi32, #tpu.memory_space<vmem_shared>>
        %dma_wait3A_146 = tpu.memref_squeeze %dma_wait3A_145 : memref<1x512xi32, #tpu.memory_space<vmem_shared>> -> memref<512xi32, #tpu.memory_space<vmem_shared>>
        %dma_wait3A_147 = arith.constant 0 : i32
        %dma_wait3A_148 = tpu.memref_slice %arg11[%dma_wait3A_141, %dma_wait3A_147] : memref<2x512xi32, #tpu.memory_space<vmem>> -> memref<1x512xi32, #tpu.memory_space<vmem>>
        %dma_wait3A_149 = tpu.memref_squeeze %dma_wait3A_148 : memref<1x512xi32, #tpu.memory_space<vmem>> -> memref<512xi32, #tpu.memory_space<vmem>>
        %dma_wait3A_150 = tpu.memref_slice %arg20[%scan3A_22, %mul3A_140] : memref<8x65536xi32, #tpu.memory_space<vmem_shared>> -> memref<1x512xi32, #tpu.memory_space<vmem_shared>>
        %dma_wait3A_151 = tpu.memref_squeeze %dma_wait3A_150 : memref<1x512xi32, #tpu.memory_space<vmem_shared>> -> memref<512xi32, #tpu.memory_space<vmem_shared>>
        tpu.wait_dma2 semaphore(%arg16 : memref<!tpu.dma_semaphore, #tpu.memory_space<semaphore_mem>>) src(%dma_wait3A_151 : memref<512xi32, #tpu.memory_space<vmem_shared>>) dst(%dma_wait3A_149 : memref<512xi32, #tpu.memory_space<vmem>>)
        %parallel_loop3A_152 = arith.constant 0 : i32
        %parallel_loop3A_153 = arith.constant 32 : i32
        %parallel_loop3A_154 = arith.constant 1 : i32
        scf.for %parallel_loop3A_193 = %parallel_loop3A_152 to %parallel_loop3A_153 step %parallel_loop3A_154  : i32 {
          %parallel_loop3A_194 = arith.constant 16 : i32
          %parallel_loop3A_195 = arith.muli %parallel_loop3A_193, %parallel_loop3A_194 : i32
          %parallel_loop3A_196 = arith.constant 0 : i32
          %parallel_loop3A_197 = arith.index_cast %parallel_loop3A_196 : i32 to index
          %parallel_loop3A_198 = arith.index_cast %parallel_loop3A_195 : i32 to index
          %parallel_loop3A_199 = tpu.vector_load %arg11[%parallel_loop3A_197, %parallel_loop3A_198] {strides = array<i32>} : memref<2x512xi32, #tpu.memory_space<vmem>>, vector<16xi32>,
          %parallel_loop3A_200 = arith.constant 0 : i32
          %parallel_loop3A_201 = arith.constant 0 : i32
          %parallel_loop3A_202 = arith.index_cast %parallel_loop3A_200 : i32 to index
          %parallel_loop3A_203 = arith.index_cast %parallel_loop3A_201 : i32 to index
          %parallel_loop3A_204 = arith.index_cast %parallel_loop3A_195 : i32 to index
          %parallel_loop3A_205 = tpu.vector_load %arg10[%parallel_loop3A_202, %parallel_loop3A_203, %parallel_loop3A_204] {strides = array<i32>} : memref<2x2x512xf32, #tpu.memory_space<vmem>>, vector<16xf32>,
          tpu.vector_store_idx %arg8[%parallel_loop3A_199], %parallel_loop3A_205 {add = true} : memref<32768xf32, #tpu.memory_space<vmem>>[vector<16xi32>], vector<16xf32>,
          %parallel_loop3A_206 = arith.constant 0 : i32
          %parallel_loop3A_207 = arith.constant 1 : i32
          %parallel_loop3A_208 = arith.index_cast %parallel_loop3A_206 : i32 to index
          %parallel_loop3A_209 = arith.index_cast %parallel_loop3A_207 : i32 to index
          %parallel_loop3A_210 = arith.index_cast %parallel_loop3A_195 : i32 to index
          %parallel_loop3A_211 = tpu.vector_load %arg10[%parallel_loop3A_208, %parallel_loop3A_209, %parallel_loop3A_210] {strides = array<i32>} : memref<2x2x512xf32, #tpu.memory_space<vmem>>, vector<16xf32>,
          tpu.vector_store_idx %arg9[%parallel_loop3A_199], %parallel_loop3A_211 {add = true} : memref<32768xf32, #tpu.memory_space<vmem>>[vector<16xi32>], vector<16xf32>,
        } {sc.loop_unroll_factor = 8 : i64, sc.parallel_access}
        %lt3A_155 = arith.constant 63 : i32
        %lt3A_156 = arith.cmpi slt, %scan3A_91, %lt3A_155 : i32
        %convert_element_type3A_157 = arith.extui %lt3A_156 : i1 to i32
        %cond3A_158 = arith.constant 0 : i32
        %cond3A_159 = arith.cmpi ne, %convert_element_type3A_157, %cond3A_158 : i32
        scf.if %cond3A_159 {
          %add3A_193 = arith.constant 2 : i32
          %add3A_194 = arith.addi %mul3A_93, %add3A_193 : i32
          %mul3A_195 = arith.constant 512 : i32
          %mul3A_196 = arith.muli %add3A_194, %mul3A_195 : i32
          %dma_start3A_197 = arith.constant 0 : i32
          %dma_start3A_198 = arith.constant 0 : i32
          %dma_start3A_199 = arith.constant 0 : i32
          %dma_start3A_200 = tpu.memref_slice %arg10[%dma_start3A_197, %dma_start3A_198, %dma_start3A_199] : memref<2x2x512xf32, #tpu.memory_space<vmem>> -> memref<1x2x512xf32, #tpu.memory_space<vmem>>
          %dma_start3A_201 = tpu.memref_squeeze %dma_start3A_200 : memref<1x2x512xf32, #tpu.memory_space<vmem>> -> memref<2x512xf32, #tpu.memory_space<vmem>>
          %dma_start3A_202 = tpu.memref_slice %arg2[%scan3A_22, %add3A, %mul3A_196] : memref<8x64x65536xf32, #tpu.memory_space<hbm>> -> memref<1x2x512xf32, #tpu.memory_space<hbm>>
          %dma_start3A_203 = tpu.memref_squeeze %dma_start3A_202 : memref<1x2x512xf32, #tpu.memory_space<hbm>> -> memref<2x512xf32, #tpu.memory_space<hbm>>
          %dma_start3A_204 = arith.constant 0 : i32
          %dma_start3A_205 = arith.constant 0 : i32
          %dma_start3A_206 = tpu.memref_slice %arg10[%dma_start3A_197, %dma_start3A_204, %dma_start3A_205] : memref<2x2x512xf32, #tpu.memory_space<vmem>> -> memref<1x2x512xf32, #tpu.memory_space<vmem>>
          %dma_start3A_207 = tpu.memref_squeeze %dma_start3A_206 : memref<1x2x512xf32, #tpu.memory_space<vmem>> -> memref<2x512xf32, #tpu.memory_space<vmem>>
          %dma_start3A_208 = tpu.memref_slice %arg2[%scan3A_22, %add3A, %mul3A_196] : memref<8x64x65536xf32, #tpu.memory_space<hbm>> -> memref<1x2x512xf32, #tpu.memory_space<hbm>>
          %dma_start3A_209 = tpu.memref_squeeze %dma_start3A_208 : memref<1x2x512xf32, #tpu.memory_space<hbm>> -> memref<2x512xf32, #tpu.memory_space<hbm>>
          tpu.enqueue_dma source(%dma_start3A_209 : memref<2x512xf32, #tpu.memory_space<hbm>>) target(%dma_start3A_207 : memref<2x512xf32, #tpu.memory_space<vmem>>) target_semaphore(%arg14 : memref<!tpu.dma_semaphore, #tpu.memory_space<semaphore_mem>>)
          %mul3A_210 = arith.constant 512 : i32
          %mul3A_211 = arith.muli %add3A_194, %mul3A_210 : i32
          %dma_start3A_212 = arith.constant 0 : i32
          %dma_start3A_213 = arith.constant 0 : i32
          %dma_start3A_214 = tpu.memref_slice %arg11[%dma_start3A_212, %dma_start3A_213] : memref<2x512xi32, #tpu.memory_space<vmem>> -> memref<1x512xi32, #tpu.memory_space<vmem>>
          %dma_start3A_215 = tpu.memref_squeeze %dma_start3A_214 : memref<1x512xi32, #tpu.memory_space<vmem>> -> memref<512xi32, #tpu.memory_space<vmem>>
          %dma_start3A_216 = tpu.memref_slice %arg20[%scan3A_22, %mul3A_211] : memref<8x65536xi32, #tpu.memory_space<vmem_shared>> -> memref<1x512xi32, #tpu.memory_space<vmem_shared>>
          %dma_start3A_217 = tpu.memref_squeeze %dma_start3A_216 : memref<1x512xi32, #tpu.memory_space<vmem_shared>> -> memref<512xi32, #tpu.memory_space<vmem_shared>>
          %dma_start3A_218 = arith.constant 0 : i32
          %dma_start3A_219 = tpu.memref_slice %arg11[%dma_start3A_212, %dma_start3A_218] : memref<2x512xi32, #tpu.memory_space<vmem>> -> memref<1x512xi32, #tpu.memory_space<vmem>>
          %dma_start3A_220 = tpu.memref_squeeze %dma_start3A_219 : memref<1x512xi32, #tpu.memory_space<vmem>> -> memref<512xi32, #tpu.memory_space<vmem>>
          %dma_start3A_221 = tpu.memref_slice %arg20[%scan3A_22, %mul3A_211] : memref<8x65536xi32, #tpu.memory_space<vmem_shared>> -> memref<1x512xi32, #tpu.memory_space<vmem_shared>>
          %dma_start3A_222 = tpu.memref_squeeze %dma_start3A_221 : memref<1x512xi32, #tpu.memory_space<vmem_shared>> -> memref<512xi32, #tpu.memory_space<vmem_shared>>
          tpu.enqueue_dma source(%dma_start3A_222 : memref<512xi32, #tpu.memory_space<vmem_shared>>) target(%dma_start3A_220 : memref<512xi32, #tpu.memory_space<vmem>>) target_semaphore(%arg16 : memref<!tpu.dma_semaphore, #tpu.memory_space<semaphore_mem>>)
        } else {
        }
        %add3A_160 = arith.constant 1 : i32
        %add3A_161 = arith.addi %mul3A_93, %add3A_160 : i32
        %mul3A_162 = arith.constant 512 : i32
        %mul3A_163 = arith.muli %add3A_161, %mul3A_162 : i32
        %dma_wait3A_164 = arith.constant 1 : i32
        %dma_wait3A_165 = arith.constant 0 : i32
        %dma_wait3A_166 = arith.constant 0 : i32
        %dma_wait3A_167 = tpu.memref_slice %arg10[%dma_wait3A_164, %dma_wait3A_165, %dma_wait3A_166] : memref<2x2x512xf32, #tpu.memory_space<vmem>> -> memref<1x2x512xf32, #tpu.memory_space<vmem>>
        %dma_wait3A_168 = tpu.memref_squeeze %dma_wait3A_167 : memref<1x2x512xf32, #tpu.memory_space<vmem>> -> memref<2x512xf32, #tpu.memory_space<vmem>>
        %dma_wait3A_169 = tpu.memref_slice %arg2[%scan3A_22, %add3A, %mul3A_163] : memref<8x64x65536xf32, #tpu.memory_space<hbm>> -> memref<1x2x512xf32, #tpu.memory_space<hbm>>
        %dma_wait3A_170 = tpu.memref_squeeze %dma_wait3A_169 : memref<1x2x512xf32, #tpu.memory_space<hbm>> -> memref<2x512xf32, #tpu.memory_space<hbm>>
        %dma_wait3A_171 = arith.constant 0 : i32
        %dma_wait3A_172 = arith.constant 0 : i32
        %dma_wait3A_173 = tpu.memref_slice %arg10[%dma_wait3A_164, %dma_wait3A_171, %dma_wait3A_172] : memref<2x2x512xf32, #tpu.memory_space<vmem>> -> memref<1x2x512xf32, #tpu.memory_space<vmem>>
        %dma_wait3A_174 = tpu.memref_squeeze %dma_wait3A_173 : memref<1x2x512xf32, #tpu.memory_space<vmem>> -> memref<2x512xf32, #tpu.memory_space<vmem>>
        %dma_wait3A_175 = tpu.memref_slice %arg2[%scan3A_22, %add3A, %mul3A_163] : memref<8x64x65536xf32, #tpu.memory_space<hbm>> -> memref<1x2x512xf32, #tpu.memory_space<hbm>>
        %dma_wait3A_176 = tpu.memref_squeeze %dma_wait3A_175 : memref<1x2x512xf32, #tpu.memory_space<hbm>> -> memref<2x512xf32, #tpu.memory_space<hbm>>
        tpu.wait_dma2 semaphore(%arg15 : memref<!tpu.dma_semaphore, #tpu.memory_space<semaphore_mem>>) src(%dma_wait3A_176 : memref<2x512xf32, #tpu.memory_space<hbm>>) dst(%dma_wait3A_174 : memref<2x512xf32, #tpu.memory_space<vmem>>)
        %mul3A_177 = arith.constant 512 : i32
        %mul3A_178 = arith.muli %add3A_161, %mul3A_177 : i32
        %dma_wait3A_179 = arith.constant 1 : i32
        %dma_wait3A_180 = arith.constant 0 : i32
        %dma_wait3A_181 = tpu.memref_slice %arg11[%dma_wait3A_179, %dma_wait3A_180] : memref<2x512xi32, #tpu.memory_space<vmem>> -> memref<1x512xi32, #tpu.memory_space<vmem>>
        %dma_wait3A_182 = tpu.memref_squeeze %dma_wait3A_181 : memref<1x512xi32, #tpu.memory_space<vmem>> -> memref<512xi32, #tpu.memory_space<vmem>>
        %dma_wait3A_183 = tpu.memref_slice %arg20[%scan3A_22, %mul3A_178] : memref<8x65536xi32, #tpu.memory_space<vmem_shared>> -> memref<1x512xi32, #tpu.memory_space<vmem_shared>>
        %dma_wait3A_184 = tpu.memref_squeeze %dma_wait3A_183 : memref<1x512xi32, #tpu.memory_space<vmem_shared>> -> memref<512xi32, #tpu.memory_space<vmem_shared>>
        %dma_wait3A_185 = arith.constant 0 : i32
        %dma_wait3A_186 = tpu.memref_slice %arg11[%dma_wait3A_179, %dma_wait3A_185] : memref<2x512xi32, #tpu.memory_space<vmem>> -> memref<1x512xi32, #tpu.memory_space<vmem>>
        %dma_wait3A_187 = tpu.memref_squeeze %dma_wait3A_186 : memref<1x512xi32, #tpu.memory_space<vmem>> -> memref<512xi32, #tpu.memory_space<vmem>>
        %dma_wait3A_188 = tpu.memref_slice %arg20[%scan3A_22, %mul3A_178] : memref<8x65536xi32, #tpu.memory_space<vmem_shared>> -> memref<1x512xi32, #tpu.memory_space<vmem_shared>>
        %dma_wait3A_189 = tpu.memref_squeeze %dma_wait3A_188 : memref<1x512xi32, #tpu.memory_space<vmem_shared>> -> memref<512xi32, #tpu.memory_space<vmem_shared>>
        tpu.wait_dma2 semaphore(%arg17 : memref<!tpu.dma_semaphore, #tpu.memory_space<semaphore_mem>>) src(%dma_wait3A_189 : memref<512xi32, #tpu.memory_space<vmem_shared>>) dst(%dma_wait3A_187 : memref<512xi32, #tpu.memory_space<vmem>>)
        %parallel_loop3A_190 = arith.constant 0 : i32
        %parallel_loop3A_191 = arith.constant 32 : i32
        %parallel_loop3A_192 = arith.constant 1 : i32
        scf.for %parallel_loop3A_193 = %parallel_loop3A_190 to %parallel_loop3A_191 step %parallel_loop3A_192  : i32 {
          %parallel_loop3A_194 = arith.constant 16 : i32
          %parallel_loop3A_195 = arith.muli %parallel_loop3A_193, %parallel_loop3A_194 : i32
          %parallel_loop3A_196 = arith.constant 1 : i32
          %parallel_loop3A_197 = arith.index_cast %parallel_loop3A_196 : i32 to index
          %parallel_loop3A_198 = arith.index_cast %parallel_loop3A_195 : i32 to index
          %parallel_loop3A_199 = tpu.vector_load %arg11[%parallel_loop3A_197, %parallel_loop3A_198] {strides = array<i32>} : memref<2x512xi32, #tpu.memory_space<vmem>>, vector<16xi32>,
          %parallel_loop3A_200 = arith.constant 1 : i32
          %parallel_loop3A_201 = arith.constant 0 : i32
          %parallel_loop3A_202 = arith.index_cast %parallel_loop3A_200 : i32 to index
          %parallel_loop3A_203 = arith.index_cast %parallel_loop3A_201 : i32 to index
          %parallel_loop3A_204 = arith.index_cast %parallel_loop3A_195 : i32 to index
          %parallel_loop3A_205 = tpu.vector_load %arg10[%parallel_loop3A_202, %parallel_loop3A_203, %parallel_loop3A_204] {strides = array<i32>} : memref<2x2x512xf32, #tpu.memory_space<vmem>>, vector<16xf32>,
          tpu.vector_store_idx %arg8[%parallel_loop3A_199], %parallel_loop3A_205 {add = true} : memref<32768xf32, #tpu.memory_space<vmem>>[vector<16xi32>], vector<16xf32>,
          %parallel_loop3A_206 = arith.constant 1 : i32
          %parallel_loop3A_207 = arith.constant 1 : i32
          %parallel_loop3A_208 = arith.index_cast %parallel_loop3A_206 : i32 to index
          %parallel_loop3A_209 = arith.index_cast %parallel_loop3A_207 : i32 to index
          %parallel_loop3A_210 = arith.index_cast %parallel_loop3A_195 : i32 to index
          %parallel_loop3A_211 = tpu.vector_load %arg10[%parallel_loop3A_208, %parallel_loop3A_209, %parallel_loop3A_210] {strides = array<i32>} : memref<2x2x512xf32, #tpu.memory_space<vmem>>, vector<16xf32>,
          tpu.vector_store_idx %arg9[%parallel_loop3A_199], %parallel_loop3A_211 {add = true} : memref<32768xf32, #tpu.memory_space<vmem>>[vector<16xi32>], vector<16xf32>,
        } {sc.loop_unroll_factor = 8 : i64, sc.parallel_access}
      }
      %scan3A_55 = arith.constant 64 : i32
      %scan3A_56 = arith.constant 0 : i32
      %scan3A_57 = arith.constant 0 : i32
      %scan3A_58 = arith.constant 32 : i32
      %scan3A_59 = arith.addi %scan3A_57, %scan3A_58 : i32
      %scan3A_60 = arith.constant 1 : i32
      scf.for %scan3A_91 = %scan3A_57 to %scan3A_59 step %scan3A_60  : i32 {
        %mul3A_92 = arith.constant 2 : i32
        %mul3A_93 = arith.muli %scan3A_91, %mul3A_92 : i32
        %gt3A = arith.constant 0 : i32
        %gt3A_94 = arith.cmpi sgt, %scan3A_91, %gt3A : i32
        %convert_element_type3A_95 = arith.extui %gt3A_94 : i1 to i32
        %cond3A_96 = arith.constant 0 : i32
        %cond3A_97 = arith.cmpi ne, %convert_element_type3A_95, %cond3A_96 : i32
        scf.if %cond3A_97 {
          %sub3A = arith.constant 2 : i32
          %sub3A_147 = arith.subi %mul3A_93, %sub3A : i32
          %mul3A_148 = arith.constant 512 : i32
          %mul3A_149 = arith.muli %sub3A_147, %mul3A_148 : i32
          %dma_wait3A_150 = arith.constant 0 : i32
          %dma_wait3A_151 = arith.constant 0 : i32
          %dma_wait3A_152 = arith.constant 0 : i32
          %dma_wait3A_153 = tpu.memref_slice %arg13[%dma_wait3A_150, %dma_wait3A_151, %dma_wait3A_152] : memref<2x2x512xf32, #tpu.memory_space<vmem>> -> memref<1x2x512xf32, #tpu.memory_space<vmem>>
          %dma_wait3A_154 = tpu.memref_squeeze %dma_wait3A_153 : memref<1x2x512xf32, #tpu.memory_space<vmem>> -> memref<2x512xf32, #tpu.memory_space<vmem>>
          %dma_wait3A_155 = tpu.memref_slice %arg4[%scan3A_22, %add3A, %mul3A_149] : memref<8x64x32768xf32, #tpu.memory_space<hbm>> -> memref<1x2x512xf32, #tpu.memory_space<hbm>>
          %dma_wait3A_156 = tpu.memref_squeeze %dma_wait3A_155 : memref<1x2x512xf32, #tpu.memory_space<hbm>> -> memref<2x512xf32, #tpu.memory_space<hbm>>
          %dma_wait3A_157 = tpu.memref_slice %arg4[%scan3A_22, %add3A, %mul3A_149] : memref<8x64x32768xf32, #tpu.memory_space<hbm>> -> memref<1x2x512xf32, #tpu.memory_space<hbm>>
          %dma_wait3A_158 = tpu.memref_squeeze %dma_wait3A_157 : memref<1x2x512xf32, #tpu.memory_space<hbm>> -> memref<2x512xf32, #tpu.memory_space<hbm>>
          %dma_wait3A_159 = arith.constant 0 : i32
          %dma_wait3A_160 = arith.constant 0 : i32
          %dma_wait3A_161 = tpu.memref_slice %arg13[%dma_wait3A_150, %dma_wait3A_159, %dma_wait3A_160] : memref<2x2x512xf32, #tpu.memory_space<vmem>> -> memref<1x2x512xf32, #tpu.memory_space<vmem>>
          %dma_wait3A_162 = tpu.memref_squeeze %dma_wait3A_161 : memref<1x2x512xf32, #tpu.memory_space<vmem>> -> memref<2x512xf32, #tpu.memory_space<vmem>>
          tpu.wait_dma2 semaphore(%arg18 : memref<!tpu.dma_semaphore, #tpu.memory_space<semaphore_mem>>) src(%dma_wait3A_162 : memref<2x512xf32, #tpu.memory_space<vmem>>) dst(%dma_wait3A_158 : memref<2x512xf32, #tpu.memory_space<hbm>>)
        } else {
        }
        %mul3A_98 = arith.constant 512 : i32
        %mul3A_99 = arith.muli %mul3A_93, %mul3A_98 : i32
        "tpu.region"() ({
          %run_scoped3A = tpu.sem_alloc : memref<!tpu.dma_semaphore, #tpu.memory_space<semaphore_mem>>
          %dma_start3A_147 = tpu.memref_slice %arg21[%scan3A_22, %mul3A_99] : memref<8x32768xf32, #tpu.memory_space<vmem_shared>> -> memref<1x512xf32, #tpu.memory_space<vmem_shared>>
          %dma_start3A_148 = tpu.memref_squeeze %dma_start3A_147 : memref<1x512xf32, #tpu.memory_space<vmem_shared>> -> memref<512xf32, #tpu.memory_space<vmem_shared>>
          %dma_start3A_149 = tpu.memref_slice %arg21[%scan3A_22, %mul3A_99] : memref<8x32768xf32, #tpu.memory_space<vmem_shared>> -> memref<1x512xf32, #tpu.memory_space<vmem_shared>>
          %dma_start3A_150 = tpu.memref_squeeze %dma_start3A_149 : memref<1x512xf32, #tpu.memory_space<vmem_shared>> -> memref<512xf32, #tpu.memory_space<vmem_shared>>
          tpu.enqueue_dma source(%dma_start3A_150 : memref<512xf32, #tpu.memory_space<vmem_shared>>) target(%arg12 : memref<512xf32, #tpu.memory_space<vmem>>) target_semaphore(%run_scoped3A : memref<!tpu.dma_semaphore, #tpu.memory_space<semaphore_mem>>)
          %dma_wait3A_151 = tpu.memref_slice %arg21[%scan3A_22, %mul3A_99] : memref<8x32768xf32, #tpu.memory_space<vmem_shared>> -> memref<1x512xf32, #tpu.memory_space<vmem_shared>>
          %dma_wait3A_152 = tpu.memref_squeeze %dma_wait3A_151 : memref<1x512xf32, #tpu.memory_space<vmem_shared>> -> memref<512xf32, #tpu.memory_space<vmem_shared>>
          %dma_wait3A_153 = tpu.memref_slice %arg21[%scan3A_22, %mul3A_99] : memref<8x32768xf32, #tpu.memory_space<vmem_shared>> -> memref<1x512xf32, #tpu.memory_space<vmem_shared>>
          %dma_wait3A_154 = tpu.memref_squeeze %dma_wait3A_153 : memref<1x512xf32, #tpu.memory_space<vmem_shared>> -> memref<512xf32, #tpu.memory_space<vmem_shared>>
          tpu.wait_dma2 semaphore(%run_scoped3A : memref<!tpu.dma_semaphore, #tpu.memory_space<semaphore_mem>>) src(%dma_wait3A_154 : memref<512xf32, #tpu.memory_space<vmem_shared>>) dst(%arg12 : memref<512xf32, #tpu.memory_space<vmem>>)
          tpu.yield
        }) : () -> ()
        %parallel_loop3A_100 = arith.constant 0 : i32
        %parallel_loop3A_101 = arith.constant 32 : i32
        %parallel_loop3A_102 = arith.constant 1 : i32
        scf.for %parallel_loop3A_147 = %parallel_loop3A_100 to %parallel_loop3A_101 step %parallel_loop3A_102  : i32 {
          %parallel_loop3A_148 = arith.constant 16 : i32
          %parallel_loop3A_149 = arith.muli %parallel_loop3A_147, %parallel_loop3A_148 : i32
          %parallel_loop3A_150 = arith.constant 512 : i32
          %parallel_loop3A_151 = arith.muli %mul3A_93, %parallel_loop3A_150 : i32
          %parallel_loop3A_152 = arith.constant 16 : i32
          %parallel_loop3A_153 = arith.muli %parallel_loop3A_147, %parallel_loop3A_152 : i32
          %parallel_loop3A_154 = arith.addi %parallel_loop3A_151, %parallel_loop3A_153 : i32
          %parallel_loop3A_155 = arith.index_cast %parallel_loop3A_149 : i32 to index
          %parallel_loop3A_156 = tpu.vector_load %arg12[%parallel_loop3A_155] {strides = array<i32>} : memref<512xf32, #tpu.memory_space<vmem>>, vector<16xf32>,
          %parallel_loop3A_157 = arith.index_cast %parallel_loop3A_154 : i32 to index
          %parallel_loop3A_158 = tpu.vector_load %arg8[%parallel_loop3A_157] {strides = array<i32>} : memref<32768xf32, #tpu.memory_space<vmem>>, vector<16xf32>,
          %parallel_loop3A_159 = arith.mulf %parallel_loop3A_158, %parallel_loop3A_156 : vector<16xf32>
          %parallel_loop3A_160 = arith.constant 0 : i32
          %parallel_loop3A_161 = arith.constant 0 : i32
          %parallel_loop3A_162 = arith.index_cast %parallel_loop3A_160 : i32 to index
          %parallel_loop3A_163 = arith.index_cast %parallel_loop3A_161 : i32 to index
          %parallel_loop3A_164 = arith.index_cast %parallel_loop3A_149 : i32 to index
          %parallel_loop3A_165 = tpu.vector_load %arg13[%parallel_loop3A_162, %parallel_loop3A_163, %parallel_loop3A_164] {strides = array<i32>} : memref<2x2x512xf32, #tpu.memory_space<vmem>>, vector<16xf32>,
          tpu.vector_store %arg13[%parallel_loop3A_162, %parallel_loop3A_163, %parallel_loop3A_164], %parallel_loop3A_159 {strides = array<i32>} : memref<2x2x512xf32, #tpu.memory_space<vmem>>, vector<16xf32>,
          %parallel_loop3A_166 = arith.index_cast %parallel_loop3A_154 : i32 to index
          %parallel_loop3A_167 = tpu.vector_load %arg9[%parallel_loop3A_166] {strides = array<i32>} : memref<32768xf32, #tpu.memory_space<vmem>>, vector<16xf32>,
          %parallel_loop3A_168 = arith.mulf %parallel_loop3A_167, %parallel_loop3A_156 : vector<16xf32>
          %parallel_loop3A_169 = arith.constant 0 : i32
          %parallel_loop3A_170 = arith.constant 1 : i32
          %parallel_loop3A_171 = arith.index_cast %parallel_loop3A_169 : i32 to index
          %parallel_loop3A_172 = arith.index_cast %parallel_loop3A_170 : i32 to index
          %parallel_loop3A_173 = arith.index_cast %parallel_loop3A_149 : i32 to index
          %parallel_loop3A_174 = tpu.vector_load %arg13[%parallel_loop3A_171, %parallel_loop3A_172, %parallel_loop3A_173] {strides = array<i32>} : memref<2x2x512xf32, #tpu.memory_space<vmem>>, vector<16xf32>,
          tpu.vector_store %arg13[%parallel_loop3A_171, %parallel_loop3A_172, %parallel_loop3A_173], %parallel_loop3A_168 {strides = array<i32>} : memref<2x2x512xf32, #tpu.memory_space<vmem>>, vector<16xf32>,
          %parallel_loop3A_175 = arith.index_cast %parallel_loop3A_154 : i32 to index
          %parallel_loop3A_176 = tpu.vector_load %arg8[%parallel_loop3A_175] {strides = array<i32>} : memref<32768xf32, #tpu.memory_space<vmem>>, vector<16xf32>,
          tpu.vector_store %arg8[%parallel_loop3A_175], %broadcast_in_dim3A_0 {strides = array<i32>} : memref<32768xf32, #tpu.memory_space<vmem>>, vector<16xf32>,
          %parallel_loop3A_177 = arith.index_cast %parallel_loop3A_154 : i32 to index
          %parallel_loop3A_178 = tpu.vector_load %arg9[%parallel_loop3A_177] {strides = array<i32>} : memref<32768xf32, #tpu.memory_space<vmem>>, vector<16xf32>,
          tpu.vector_store %arg9[%parallel_loop3A_177], %broadcast_in_dim3A_0 {strides = array<i32>} : memref<32768xf32, #tpu.memory_space<vmem>>, vector<16xf32>,
        } {sc.loop_unroll_factor = 4 : i64, sc.parallel_access}
        %mul3A_103 = arith.constant 512 : i32
        %mul3A_104 = arith.muli %mul3A_93, %mul3A_103 : i32
        %dma_start3A_105 = arith.constant 0 : i32
        %dma_start3A_106 = arith.constant 0 : i32
        %dma_start3A_107 = arith.constant 0 : i32
        %dma_start3A_108 = tpu.memref_slice %arg13[%dma_start3A_105, %dma_start3A_106, %dma_start3A_107] : memref<2x2x512xf32, #tpu.memory_space<vmem>> -> memref<1x2x512xf32, #tpu.memory_space<vmem>>
        %dma_start3A_109 = tpu.memref_squeeze %dma_start3A_108 : memref<1x2x512xf32, #tpu.memory_space<vmem>> -> memref<2x512xf32, #tpu.memory_space<vmem>>
        %dma_start3A_110 = tpu.memref_slice %arg4[%scan3A_22, %add3A, %mul3A_104] : memref<8x64x32768xf32, #tpu.memory_space<hbm>> -> memref<1x2x512xf32, #tpu.memory_space<hbm>>
        %dma_start3A_111 = tpu.memref_squeeze %dma_start3A_110 : memref<1x2x512xf32, #tpu.memory_space<hbm>> -> memref<2x512xf32, #tpu.memory_space<hbm>>
        %dma_start3A_112 = tpu.memref_slice %arg4[%scan3A_22, %add3A, %mul3A_104] : memref<8x64x32768xf32, #tpu.memory_space<hbm>> -> memref<1x2x512xf32, #tpu.memory_space<hbm>>
        %dma_start3A_113 = tpu.memref_squeeze %dma_start3A_112 : memref<1x2x512xf32, #tpu.memory_space<hbm>> -> memref<2x512xf32, #tpu.memory_space<hbm>>
        %dma_start3A_114 = arith.constant 0 : i32
        %dma_start3A_115 = arith.constant 0 : i32
        %dma_start3A_116 = tpu.memref_slice %arg13[%dma_start3A_105, %dma_start3A_114, %dma_start3A_115] : memref<2x2x512xf32, #tpu.memory_space<vmem>> -> memref<1x2x512xf32, #tpu.memory_space<vmem>>
        %dma_start3A_117 = tpu.memref_squeeze %dma_start3A_116 : memref<1x2x512xf32, #tpu.memory_space<vmem>> -> memref<2x512xf32, #tpu.memory_space<vmem>>
        tpu.enqueue_dma source(%dma_start3A_117 : memref<2x512xf32, #tpu.memory_space<vmem>>) target(%dma_start3A_113 : memref<2x512xf32, #tpu.memory_space<hbm>>) target_semaphore(%arg18 : memref<!tpu.dma_semaphore, #tpu.memory_space<semaphore_mem>>)
        %gt3A_118 = arith.constant 0 : i32
        %gt3A_119 = arith.cmpi sgt, %scan3A_91, %gt3A_118 : i32
        %convert_element_type3A_120 = arith.extui %gt3A_119 : i1 to i32
        %cond3A_121 = arith.constant 0 : i32
        %cond3A_122 = arith.cmpi ne, %convert_element_type3A_120, %cond3A_121 : i32
        scf.if %cond3A_122 {
          %sub3A = arith.constant 1 : i32
          %sub3A_147 = arith.subi %mul3A_93, %sub3A : i32
          %mul3A_148 = arith.constant 512 : i32
          %mul3A_149 = arith.muli %sub3A_147, %mul3A_148 : i32
          %dma_wait3A_150 = arith.constant 1 : i32
          %dma_wait3A_151 = arith.constant 0 : i32
          %dma_wait3A_152 = arith.constant 0 : i32
          %dma_wait3A_153 = tpu.memref_slice %arg13[%dma_wait3A_150, %dma_wait3A_151, %dma_wait3A_152] : memref<2x2x512xf32, #tpu.memory_space<vmem>> -> memref<1x2x512xf32, #tpu.memory_space<vmem>>
          %dma_wait3A_154 = tpu.memref_squeeze %dma_wait3A_153 : memref<1x2x512xf32, #tpu.memory_space<vmem>> -> memref<2x512xf32, #tpu.memory_space<vmem>>
          %dma_wait3A_155 = tpu.memref_slice %arg4[%scan3A_22, %add3A, %mul3A_149] : memref<8x64x32768xf32, #tpu.memory_space<hbm>> -> memref<1x2x512xf32, #tpu.memory_space<hbm>>
          %dma_wait3A_156 = tpu.memref_squeeze %dma_wait3A_155 : memref<1x2x512xf32, #tpu.memory_space<hbm>> -> memref<2x512xf32, #tpu.memory_space<hbm>>
          %dma_wait3A_157 = tpu.memref_slice %arg4[%scan3A_22, %add3A, %mul3A_149] : memref<8x64x32768xf32, #tpu.memory_space<hbm>> -> memref<1x2x512xf32, #tpu.memory_space<hbm>>
          %dma_wait3A_158 = tpu.memref_squeeze %dma_wait3A_157 : memref<1x2x512xf32, #tpu.memory_space<hbm>> -> memref<2x512xf32, #tpu.memory_space<hbm>>
          %dma_wait3A_159 = arith.constant 0 : i32
          %dma_wait3A_160 = arith.constant 0 : i32
          %dma_wait3A_161 = tpu.memref_slice %arg13[%dma_wait3A_150, %dma_wait3A_159, %dma_wait3A_160] : memref<2x2x512xf32, #tpu.memory_space<vmem>> -> memref<1x2x512xf32, #tpu.memory_space<vmem>>
          %dma_wait3A_162 = tpu.memref_squeeze %dma_wait3A_161 : memref<1x2x512xf32, #tpu.memory_space<vmem>> -> memref<2x512xf32, #tpu.memory_space<vmem>>
          tpu.wait_dma2 semaphore(%arg19 : memref<!tpu.dma_semaphore, #tpu.memory_space<semaphore_mem>>) src(%dma_wait3A_162 : memref<2x512xf32, #tpu.memory_space<vmem>>) dst(%dma_wait3A_158 : memref<2x512xf32, #tpu.memory_space<hbm>>)
        } else {
        }
        %add3A_123 = arith.constant 1 : i32
        %add3A_124 = arith.addi %mul3A_93, %add3A_123 : i32
        %mul3A_125 = arith.constant 512 : i32
        %mul3A_126 = arith.muli %add3A_124, %mul3A_125 : i32
        "tpu.region"() ({
          %run_scoped3A = tpu.sem_alloc : memref<!tpu.dma_semaphore, #tpu.memory_space<semaphore_mem>>
          %dma_start3A_147 = tpu.memref_slice %arg21[%scan3A_22, %mul3A_126] : memref<8x32768xf32, #tpu.memory_space<vmem_shared>> -> memref<1x512xf32, #tpu.memory_space<vmem_shared>>
          %dma_start3A_148 = tpu.memref_squeeze %dma_start3A_147 : memref<1x512xf32, #tpu.memory_space<vmem_shared>> -> memref<512xf32, #tpu.memory_space<vmem_shared>>
          %dma_start3A_149 = tpu.memref_slice %arg21[%scan3A_22, %mul3A_126] : memref<8x32768xf32, #tpu.memory_space<vmem_shared>> -> memref<1x512xf32, #tpu.memory_space<vmem_shared>>
          %dma_start3A_150 = tpu.memref_squeeze %dma_start3A_149 : memref<1x512xf32, #tpu.memory_space<vmem_shared>> -> memref<512xf32, #tpu.memory_space<vmem_shared>>
          tpu.enqueue_dma source(%dma_start3A_150 : memref<512xf32, #tpu.memory_space<vmem_shared>>) target(%arg12 : memref<512xf32, #tpu.memory_space<vmem>>) target_semaphore(%run_scoped3A : memref<!tpu.dma_semaphore, #tpu.memory_space<semaphore_mem>>)
          %dma_wait3A_151 = tpu.memref_slice %arg21[%scan3A_22, %mul3A_126] : memref<8x32768xf32, #tpu.memory_space<vmem_shared>> -> memref<1x512xf32, #tpu.memory_space<vmem_shared>>
          %dma_wait3A_152 = tpu.memref_squeeze %dma_wait3A_151 : memref<1x512xf32, #tpu.memory_space<vmem_shared>> -> memref<512xf32, #tpu.memory_space<vmem_shared>>
          %dma_wait3A_153 = tpu.memref_slice %arg21[%scan3A_22, %mul3A_126] : memref<8x32768xf32, #tpu.memory_space<vmem_shared>> -> memref<1x512xf32, #tpu.memory_space<vmem_shared>>
          %dma_wait3A_154 = tpu.memref_squeeze %dma_wait3A_153 : memref<1x512xf32, #tpu.memory_space<vmem_shared>> -> memref<512xf32, #tpu.memory_space<vmem_shared>>
          tpu.wait_dma2 semaphore(%run_scoped3A : memref<!tpu.dma_semaphore, #tpu.memory_space<semaphore_mem>>) src(%dma_wait3A_154 : memref<512xf32, #tpu.memory_space<vmem_shared>>) dst(%arg12 : memref<512xf32, #tpu.memory_space<vmem>>)
          tpu.yield
        }) : () -> ()
        %parallel_loop3A_127 = arith.constant 0 : i32
        %parallel_loop3A_128 = arith.constant 32 : i32
        %parallel_loop3A_129 = arith.constant 1 : i32
        scf.for %parallel_loop3A_147 = %parallel_loop3A_127 to %parallel_loop3A_128 step %parallel_loop3A_129  : i32 {
          %parallel_loop3A_148 = arith.constant 16 : i32
          %parallel_loop3A_149 = arith.muli %parallel_loop3A_147, %parallel_loop3A_148 : i32
          %parallel_loop3A_150 = arith.constant 512 : i32
          %parallel_loop3A_151 = arith.muli %add3A_124, %parallel_loop3A_150 : i32
          %parallel_loop3A_152 = arith.constant 16 : i32
          %parallel_loop3A_153 = arith.muli %parallel_loop3A_147, %parallel_loop3A_152 : i32
          %parallel_loop3A_154 = arith.addi %parallel_loop3A_151, %parallel_loop3A_153 : i32
          %parallel_loop3A_155 = arith.index_cast %parallel_loop3A_149 : i32 to index
          %parallel_loop3A_156 = tpu.vector_load %arg12[%parallel_loop3A_155] {strides = array<i32>} : memref<512xf32, #tpu.memory_space<vmem>>, vector<16xf32>,
          %parallel_loop3A_157 = arith.index_cast %parallel_loop3A_154 : i32 to index
          %parallel_loop3A_158 = tpu.vector_load %arg8[%parallel_loop3A_157] {strides = array<i32>} : memref<32768xf32, #tpu.memory_space<vmem>>, vector<16xf32>,
          %parallel_loop3A_159 = arith.mulf %parallel_loop3A_158, %parallel_loop3A_156 : vector<16xf32>
          %parallel_loop3A_160 = arith.constant 1 : i32
          %parallel_loop3A_161 = arith.constant 0 : i32
          %parallel_loop3A_162 = arith.index_cast %parallel_loop3A_160 : i32 to index
          %parallel_loop3A_163 = arith.index_cast %parallel_loop3A_161 : i32 to index
          %parallel_loop3A_164 = arith.index_cast %parallel_loop3A_149 : i32 to index
          %parallel_loop3A_165 = tpu.vector_load %arg13[%parallel_loop3A_162, %parallel_loop3A_163, %parallel_loop3A_164] {strides = array<i32>} : memref<2x2x512xf32, #tpu.memory_space<vmem>>, vector<16xf32>,
          tpu.vector_store %arg13[%parallel_loop3A_162, %parallel_loop3A_163, %parallel_loop3A_164], %parallel_loop3A_159 {strides = array<i32>} : memref<2x2x512xf32, #tpu.memory_space<vmem>>, vector<16xf32>,
          %parallel_loop3A_166 = arith.index_cast %parallel_loop3A_154 : i32 to index
          %parallel_loop3A_167 = tpu.vector_load %arg9[%parallel_loop3A_166] {strides = array<i32>} : memref<32768xf32, #tpu.memory_space<vmem>>, vector<16xf32>,
          %parallel_loop3A_168 = arith.mulf %parallel_loop3A_167, %parallel_loop3A_156 : vector<16xf32>
          %parallel_loop3A_169 = arith.constant 1 : i32
          %parallel_loop3A_170 = arith.constant 1 : i32
          %parallel_loop3A_171 = arith.index_cast %parallel_loop3A_169 : i32 to index
          %parallel_loop3A_172 = arith.index_cast %parallel_loop3A_170 : i32 to index
          %parallel_loop3A_173 = arith.index_cast %parallel_loop3A_149 : i32 to index
          %parallel_loop3A_174 = tpu.vector_load %arg13[%parallel_loop3A_171, %parallel_loop3A_172, %parallel_loop3A_173] {strides = array<i32>} : memref<2x2x512xf32, #tpu.memory_space<vmem>>, vector<16xf32>,
          tpu.vector_store %arg13[%parallel_loop3A_171, %parallel_loop3A_172, %parallel_loop3A_173], %parallel_loop3A_168 {strides = array<i32>} : memref<2x2x512xf32, #tpu.memory_space<vmem>>, vector<16xf32>,
          %parallel_loop3A_175 = arith.index_cast %parallel_loop3A_154 : i32 to index
          %parallel_loop3A_176 = tpu.vector_load %arg8[%parallel_loop3A_175] {strides = array<i32>} : memref<32768xf32, #tpu.memory_space<vmem>>, vector<16xf32>,
          tpu.vector_store %arg8[%parallel_loop3A_175], %broadcast_in_dim3A_0 {strides = array<i32>} : memref<32768xf32, #tpu.memory_space<vmem>>, vector<16xf32>,
          %parallel_loop3A_177 = arith.index_cast %parallel_loop3A_154 : i32 to index
          %parallel_loop3A_178 = tpu.vector_load %arg9[%parallel_loop3A_177] {strides = array<i32>} : memref<32768xf32, #tpu.memory_space<vmem>>, vector<16xf32>,
          tpu.vector_store %arg9[%parallel_loop3A_177], %broadcast_in_dim3A_0 {strides = array<i32>} : memref<32768xf32, #tpu.memory_space<vmem>>, vector<16xf32>,
        } {sc.loop_unroll_factor = 4 : i64, sc.parallel_access}
        %add3A_130 = arith.constant 1 : i32
        %add3A_131 = arith.addi %mul3A_93, %add3A_130 : i32
        %mul3A_132 = arith.constant 512 : i32
        %mul3A_133 = arith.muli %add3A_131, %mul3A_132 : i32
        %dma_start3A_134 = arith.constant 1 : i32
        %dma_start3A_135 = arith.constant 0 : i32
        %dma_start3A_136 = arith.constant 0 : i32
        %dma_start3A_137 = tpu.memref_slice %arg13[%dma_start3A_134, %dma_start3A_135, %dma_start3A_136] : memref<2x2x512xf32, #tpu.memory_space<vmem>> -> memref<1x2x512xf32, #tpu.memory_space<vmem>>
        %dma_start3A_138 = tpu.memref_squeeze %dma_start3A_137 : memref<1x2x512xf32, #tpu.memory_space<vmem>> -> memref<2x512xf32, #tpu.memory_space<vmem>>
        %dma_start3A_139 = tpu.memref_slice %arg4[%scan3A_22, %add3A, %mul3A_133] : memref<8x64x32768xf32, #tpu.memory_space<hbm>> -> memref<1x2x512xf32, #tpu.memory_space<hbm>>
        %dma_start3A_140 = tpu.memref_squeeze %dma_start3A_139 : memref<1x2x512xf32, #tpu.memory_space<hbm>> -> memref<2x512xf32, #tpu.memory_space<hbm>>
        %dma_start3A_141 = tpu.memref_slice %arg4[%scan3A_22, %add3A, %mul3A_133] : memref<8x64x32768xf32, #tpu.memory_space<hbm>> -> memref<1x2x512xf32, #tpu.memory_space<hbm>>
        %dma_start3A_142 = tpu.memref_squeeze %dma_start3A_141 : memref<1x2x512xf32, #tpu.memory_space<hbm>> -> memref<2x512xf32, #tpu.memory_space<hbm>>
        %dma_start3A_143 = arith.constant 0 : i32
        %dma_start3A_144 = arith.constant 0 : i32
        %dma_start3A_145 = tpu.memref_slice %arg13[%dma_start3A_134, %dma_start3A_143, %dma_start3A_144] : memref<2x2x512xf32, #tpu.memory_space<vmem>> -> memref<1x2x512xf32, #tpu.memory_space<vmem>>
        %dma_start3A_146 = tpu.memref_squeeze %dma_start3A_145 : memref<1x2x512xf32, #tpu.memory_space<vmem>> -> memref<2x512xf32, #tpu.memory_space<vmem>>
        tpu.enqueue_dma source(%dma_start3A_146 : memref<2x512xf32, #tpu.memory_space<vmem>>) target(%dma_start3A_142 : memref<2x512xf32, #tpu.memory_space<hbm>>) target_semaphore(%arg19 : memref<!tpu.dma_semaphore, #tpu.memory_space<semaphore_mem>>)
      }
      %scan3A_61 = arith.constant 32 : i32
      %dma_wait3A = arith.constant 0 : i32
      %dma_wait3A_62 = arith.constant 0 : i32
      %dma_wait3A_63 = arith.constant 0 : i32
      %dma_wait3A_64 = tpu.memref_slice %arg13[%dma_wait3A, %dma_wait3A_62, %dma_wait3A_63] : memref<2x2x512xf32, #tpu.memory_space<vmem>> -> memref<1x2x512xf32, #tpu.memory_space<vmem>>
      %dma_wait3A_65 = tpu.memref_squeeze %dma_wait3A_64 : memref<1x2x512xf32, #tpu.memory_space<vmem>> -> memref<2x512xf32, #tpu.memory_space<vmem>>
      %dma_wait3A_66 = arith.constant 31744 : i32
      %dma_wait3A_67 = tpu.memref_slice %arg4[%scan3A_22, %add3A, %dma_wait3A_66] : memref<8x64x32768xf32, #tpu.memory_space<hbm>> -> memref<1x2x512xf32, #tpu.memory_space<hbm>>
      %dma_wait3A_68 = tpu.memref_squeeze %dma_wait3A_67 : memref<1x2x512xf32, #tpu.memory_space<hbm>> -> memref<2x512xf32, #tpu.memory_space<hbm>>
      %dma_wait3A_69 = arith.constant 31744 : i32
      %dma_wait3A_70 = tpu.memref_slice %arg4[%scan3A_22, %add3A, %dma_wait3A_69] : memref<8x64x32768xf32, #tpu.memory_space<hbm>> -> memref<1x2x512xf32, #tpu.memory_space<hbm>>
      %dma_wait3A_71 = tpu.memref_squeeze %dma_wait3A_70 : memref<1x2x512xf32, #tpu.memory_space<hbm>> -> memref<2x512xf32, #tpu.memory_space<hbm>>
      %dma_wait3A_72 = arith.constant 0 : i32
      %dma_wait3A_73 = arith.constant 0 : i32
      %dma_wait3A_74 = tpu.memref_slice %arg13[%dma_wait3A, %dma_wait3A_72, %dma_wait3A_73] : memref<2x2x512xf32, #tpu.memory_space<vmem>> -> memref<1x2x512xf32, #tpu.memory_space<vmem>>
      %dma_wait3A_75 = tpu.memref_squeeze %dma_wait3A_74 : memref<1x2x512xf32, #tpu.memory_space<vmem>> -> memref<2x512xf32, #tpu.memory_space<vmem>>
      tpu.wait_dma2 semaphore(%arg18 : memref<!tpu.dma_semaphore, #tpu.memory_space<semaphore_mem>>) src(%dma_wait3A_75 : memref<2x512xf32, #tpu.memory_space<vmem>>) dst(%dma_wait3A_71 : memref<2x512xf32, #tpu.memory_space<hbm>>)
      %dma_wait3A_76 = arith.constant 1 : i32
      %dma_wait3A_77 = arith.constant 0 : i32
      %dma_wait3A_78 = arith.constant 0 : i32
      %dma_wait3A_79 = tpu.memref_slice %arg13[%dma_wait3A_76, %dma_wait3A_77, %dma_wait3A_78] : memref<2x2x512xf32, #tpu.memory_space<vmem>> -> memref<1x2x512xf32, #tpu.memory_space<vmem>>
      %dma_wait3A_80 = tpu.memref_squeeze %dma_wait3A_79 : memref<1x2x512xf32, #tpu.memory_space<vmem>> -> memref<2x512xf32, #tpu.memory_space<vmem>>
      %dma_wait3A_81 = arith.constant 32256 : i32
      %dma_wait3A_82 = tpu.memref_slice %arg4[%scan3A_22, %add3A, %dma_wait3A_81] : memref<8x64x32768xf32, #tpu.memory_space<hbm>> -> memref<1x2x512xf32, #tpu.memory_space<hbm>>
      %dma_wait3A_83 = tpu.memref_squeeze %dma_wait3A_82 : memref<1x2x512xf32, #tpu.memory_space<hbm>> -> memref<2x512xf32, #tpu.memory_space<hbm>>
      %dma_wait3A_84 = arith.constant 32256 : i32
      %dma_wait3A_85 = tpu.memref_slice %arg4[%scan3A_22, %add3A, %dma_wait3A_84] : memref<8x64x32768xf32, #tpu.memory_space<hbm>> -> memref<1x2x512xf32, #tpu.memory_space<hbm>>
      %dma_wait3A_86 = tpu.memref_squeeze %dma_wait3A_85 : memref<1x2x512xf32, #tpu.memory_space<hbm>> -> memref<2x512xf32, #tpu.memory_space<hbm>>
      %dma_wait3A_87 = arith.constant 0 : i32
      %dma_wait3A_88 = arith.constant 0 : i32
      %dma_wait3A_89 = tpu.memref_slice %arg13[%dma_wait3A_76, %dma_wait3A_87, %dma_wait3A_88] : memref<2x2x512xf32, #tpu.memory_space<vmem>> -> memref<1x2x512xf32, #tpu.memory_space<vmem>>
      %dma_wait3A_90 = tpu.memref_squeeze %dma_wait3A_89 : memref<1x2x512xf32, #tpu.memory_space<vmem>> -> memref<2x512xf32, #tpu.memory_space<vmem>>
      tpu.wait_dma2 semaphore(%arg19 : memref<!tpu.dma_semaphore, #tpu.memory_space<semaphore_mem>>) src(%dma_wait3A_90 : memref<2x512xf32, #tpu.memory_space<vmem>>) dst(%dma_wait3A_86 : memref<2x512xf32, #tpu.memory_space<hbm>>)
    }
    %scan3A_21 = arith.constant 8 : i32
    return
  }
}

</mosaic_0001>

<sc_bundles>
// kernel: _voxelize.3.cloned.1.call-start
scs
__scs_entry_jumppad:
0x0: {  	(pc) =	sbr.rel $0x88, $3  }
0x1: {  	(tag) =	ssettag $0x0;
	lr =	simm.s32 $0x1  }
0x2: {  	[smem:$0x3F9F] =	sst lr;
	_ =	strace $0xD0000000  }
0x3: {  	_ = 	snop  }
0x4: {  	_ = 	snop  }
0x5: {  	_ = 	snop  }
0x6: {  	_ = 	snop  }
0x7: {  	_ = 	snop  }
__scs_overlays_trampoline_lowered:
0x8: {  	[smem:$0x3FAE] =	sst s0  }
0x9: {  	[smem:$0x3FAF] =	sst s1  }
0xa: {  	[smem:$0x3FB0] =	sst s2  }
0xb: {  	[smem:$0x3FB1] =	sst s3  }
0xc: {  	[smem:$0x3FB2] =	sst s4  }
0xd: {  	[smem:$0x3FB3] =	sst s5  }
0xe: {  	[smem:$0x3FB4] =	sst s6  }
0xf: {  	[smem:$0x3FB5] =	sst s7  }
0x10: {  	[smem:$0x3FB6] =	sst s8  }
0x11: {  	[smem:$0x3FB7] =	sst s9;
	s0 =	simm.s32 @!p0 $0x0  }
0x12: {  	s1 =	sld [smem:$0x3F9D];
	s0 =	simm.s32 @p0 $0x1  }
0x13: {  	[smem:$0x3FB8] =	sst s0;
	s0 =	simm.s32 @!p1 $0x0  }
0x14: {  	s2 =	sld [smem:$0x3F9C];
	s0 =	simm.s32 @p1 $0x1  }
0x15: {  	[smem:$0x3FB9] =	sst s0;
	s0 =	simm.s32 @!p2 $0x0  }
0x16: {  	s3 =	sld [smem:$0x3FDB];
	s0 =	simm.s32 @p2 $0x1  }
0x17: {  	s4 =	simm.s32 $0x1BF5;
	[smem:$0x3FBB] =	sst s0  }
0x18: {  	s0 =	sld [smem:$0x3F9E];
	_ =	swait.ge [sflag:s4], $0x0  }
0x19: {  	s7 =	sld [smem:$0x3F9F]  }
0x1a: {  	s8 =	sadd.s32 $0xFFFFE003, lr  }
0x1b: {  	s9 =	sadd.s32 $0xFFFFFEF7, lr;
	s5 =	simm.s32 $0xFFFFFFFF;
	p2 =	slt.u32 s8, $0xFFFFF086  }
0x1c: {  	p1 =	slt.u32 s9, $0xF7A;
	s5 =	simm.s32 @!p2 $0x0  }
0x1d: {  	s5 =	simm.s32 @p1 $0x1;
	p0 =	seq.s32 s7, s2  }
0x1e: {  	s7 =	smul.u32 @!p0 $0xF7A, s2;
	p2 =	seq.s32 @!p0 s5, $0x0  }
0x1f: {  	s9 =	smul.u32 $0xF7A, s1;
	s8 =	simm.s32 @!p0 $0x1BF5;
	p2 =	por !p2, p0  }
0x20: {  	[sflag:s8] =	ssyncset.s32 @!p0 $0xFFFFF086;
	s6 =	sadd.s32 @!p0 s3, s7;
	s7 =	simm.s32 @!p0 $0x108  }
0x21: {  	s3 =	sadd.s32 s3, s9;
	s6 =	sadd.s32 @!p0 $0x88, s6;
	s7 =	simm.s32 @p2 $0x1082  }
0x22: {  	[simem:s7], [sflag:s8] =	dma.local @!p0 [hbm:s6], $0xF7A  }
0x23: {  	s9 =	sor.u32 $0xD0000000, s2;
	s6 =	simm.s32 $0x108;
	_ =	swait.ge @!p0 [sflag:s8], $0x0  }
0x24: {  	s3 =	sadd.s32 $0x88, s3;
	s6 =	simm.s32 @!p1 $0x1082;
	[sflag:s4] =	ssyncset.s32 $0xFFFFF086  }
0x25: {  	[simem:s6], [sflag:s4] =	dma.local [hbm:s3], $0xF7A  }
0x26: {  	[smem:$0x3F9F] =	sst s1;
	(tag) =	ssettag s2;
	_ =	strace s9  }
0x27: {  	s1 =	sld [smem:$0x3FAF]  }
0x28: {  	s2 =	sld [smem:$0x3FB0]  }
0x29: {  	s4 =	sld [smem:$0x3FB2]  }
0x2a: {  	p0 =	seq.s32 s5, $0x0;
	s5 =	sld [smem:$0x3FB3]  }
0x2b: {  	s6 =	sld [smem:$0x3FB4]  }
0x2c: {  	s7 =	sld [smem:$0x3FB5]  }
0x2d: {  	s3 =	simm.s32 $0x108;
	s8 =	sld [smem:$0x3FB6]  }
0x2e: {  	s3 =	simm.s32 @!p0 $0x1082;
	s9 =	sld [smem:$0x3FB7]  }
0x2f: {  	lr =	sadd.s32 s0, s3;
	s0 =	sld [smem:$0x3FAE]  }
0x30: {  	s3 =	sld [smem:$0x3FB1]  }
0x31: {  	[smem:$0x3FBA] =	sst s10  }
0x32: {  	s10 =	sld [smem:$0x3FB8];
	_ =	sdelay $0x3  }
0x33: {  	p0 =	seq.s32 s10, $0x1;
	s10 =	sld [smem:$0x3FBA];
	_ =	sdelay $0x3  }
0x34: {  	[smem:$0x3FBA] =	sst s10  }
0x35: {  	s10 =	sld [smem:$0x3FB9];
	_ =	sdelay $0x3  }
0x36: {  	p1 =	seq.s32 s10, $0x1;
	s10 =	sld [smem:$0x3FBA];
	_ =	sdelay $0x3  }
0x37: {  	[smem:$0x3FBA] =	sst s10  }
0x38: {  	s10 =	sld [smem:$0x3FBB]  }
0x39: {  	_ = 	snop;
	(pc) =	sbr.ind lr, $3  }
0x3a: {  	_ = 	snop  }
0x3b: {  	_ = 	snop  }
0x3c: {  	p2 =	seq.s32 s10, $0x1;
	s10 =	sld [smem:$0x3FBA]  }
0x3d: {  	_ =	shalt  }
0x3e: {  	_ =	shalt  }
0x3f: {  	_ =	shalt  }
0x40: {  	_ =	shalt  }
0x41: {  	_ =	shalt  }
0x42: {  	_ =	shalt  }
0x43: {  	_ =	shalt  }
0x44: {  	_ =	shalt  }
0x45: {  	_ =	shalt  }
0x46: {  	_ =	shalt  }
0x47: {  	_ =	shalt  }
0x48: {  	_ =	shalt  }
0x49: {  	_ =	shalt  }
0x4a: {  	_ =	shalt  }
0x4b: {  	_ =	shalt  }
0x4c: {  	_ =	shalt  }
0x4d: {  	_ =	shalt  }
0x4e: {  	_ =	shalt  }
0x4f: {  	_ =	shalt  }
0x50: {  	_ =	shalt  }
0x51: {  	_ =	shalt  }
0x52: {  	_ =	shalt  }
0x53: {  	_ =	shalt  }
0x54: {  	_ =	shalt  }
0x55: {  	_ =	shalt  }
0x56: {  	_ =	shalt  }
0x57: {  	_ =	shalt  }
0x58: {  	_ =	shalt  }
0x59: {  	_ =	shalt  }
0x5a: {  	_ =	shalt  }
0x5b: {  	_ =	shalt  }
0x5c: {  	_ =	shalt  }
0x5d: {  	_ =	shalt  }
0x5e: {  	_ =	shalt  }
0x5f: {  	_ =	shalt  }
0x60: {  	_ =	shalt  }
0x61: {  	_ =	shalt  }
0x62: {  	_ =	shalt  }
0x63: {  	_ =	shalt  }
0x64: {  	_ =	shalt  }
0x65: {  	_ =	shalt  }
0x66: {  	_ =	shalt  }
0x67: {  	_ =	shalt  }
0x68: {  	_ =	shalt  }
0x69: {  	_ =	shalt  }
0x6a: {  	_ =	shalt  }
0x6b: {  	_ =	shalt  }
0x6c: {  	_ =	shalt  }
0x6d: {  	_ =	shalt  }
0x6e: {  	_ =	shalt  }
0x6f: {  	_ =	shalt  }
0x70: {  	_ =	shalt  }
0x71: {  	_ =	shalt  }
0x72: {  	_ =	shalt  }
0x73: {  	_ =	shalt  }
0x74: {  	_ =	shalt  }
0x75: {  	_ =	shalt  }
0x76: {  	_ =	shalt  }
0x77: {  	_ =	shalt  }
0x78: {  	_ =	shalt  }
0x79: {  	_ =	shalt  }
0x7a: {  	_ =	shalt  }
0x7b: {  	_ =	shalt  }
0x7c: {  	_ =	shalt  }
0x7d: {  	_ =	shalt  }
0x7e: {  	_ =	shalt  }
0x7f: {  	_ =	shalt  }
0x80: {  	_ =	shalt  }
0x81: {  	_ =	shalt  }
0x82: {  	_ =	shalt  }
0x83: {  	_ =	shalt  }
0x84: {  	_ =	shalt  }
0x85: {  	_ =	shalt  }
0x86: {  	_ =	shalt  }
0x87: {  	_ =	shalt  }
.Lfunc_end0:
.L_simem_size_0:
called_computation_lowered:
.L_overlay_start_0:
0x88: {  	s2 =	sld [smem:$0x3FD9]  }
0x89: {  	s3 =	sld [smem:$0x3FFE];
	_ =	sdelay $0x1  }
0x8a: {  	s1 =	srdreg.scid  }
0x8b: {  	s0 =	sand.u32 $0x1, s1  }
0x8c: {  	s14 =	sshll.u32 s0, $0xA;
	s2 =	sadd.s32 s3, s2  }
0x8d: {  	s2 =	sadd.s32 s2, s14  }
0x8e: {  	[smem:$0x3FC6] =	sst s2  }
0x8f: {  	_ = 	snop  }
0x90: {  	s2 =	sld [smem:$0x3FD0];
	_ =	sdelay $0x2  }
0x91: {  	s4 =	simm.s32 $0xA;
	s5 =	simm.s32 $0x10;
	s15 =	sld [smem:$0x3FC9]  }
0x92: {  	[smem:s5], [sflag:s4] =	dma.local [hbm:s2], $0x1  }
0x93: {  	_ =	swait.eq [sflag:s4], $0x1  }
0x94: {  	[sflag:s4] =	ssyncset.done $0x0  }
0x95: {  	[sflag:s4] =	ssyncadd.s32 $0xFFFFFFFF  }
0x96: {  	s16 =	sld [smem:$0x10];
	(tm) =	ssettm $0x1  }
0x97: {  	s17 =	sld [smem:$0x3FFB];
	_ =	sdelay $0x3  }
0x98: {  	_ =	strace s17  }
0x99: {  	s4 =	sld [smem:$0x3FFC];
	_ =	sdelay $0x3  }
0x9a: {  	_ =	strace s4  }
0x9b: {  	s4 =	sld [smem:$0x3FFD];
	_ =	sdelay $0x3  }
0x9c: {  	_ =	strace s4  }
0x9d: {  	_ =	strace $0x8FFFFFFF  }
0x9e: {  	s18 =	sld [smem:$0x3FDB];
	_ =	sdelay $0x1  }
0x9f: {  	s19 =	simm.s32 $_scs_section_size  }
0xa0: {  	s6 =	simm.s32 $_size__tile_overlayer_lowered;
	s7 =	simm.s32 $_tile_overlayer_lowered  }
0xa1: {  	s22 =	simm.s32 $0x1BFF;
	s21 =	sshll.u32 s7, $0x1;
	s4 =	sadd.s32 s19, s18  }
0xa2: {  	s8 =	simm.s32 $0x0;
	s20 =	sshll.u32 s6, $0x1;
	s6 =	sadd.s32 s21, s4  }
0xa3: {  	[timem:s8], [sflag:s22] =	dma.local [hbm:s6], s20  }
0xa4: {  	_ =	swait.ge [sflag:s22], s20  }
0xa5: {  	s5 =	ssub.s32 $0x0, s20;
	[sflag:s22] =	ssyncset.done $0x0  }
0xa6: {  	[sflag:s22] =	ssyncadd.s32 s5;
	_ =	sdelay $0x1  }
0xa7: {  	s23 =	simm.s32 $0x1B8B  }
0xa8: {  	_ =	swait.ge [sflag:s23], $0x1  }
0xa9: {  	[sflag:s23] =	ssyncset.done $0x0  }
0xaa: {  	s25 =	simm.s32 $0x1B8E;
	s24 =	sld [smem:$0x3FFE];
	[sflag:s23] =	ssyncadd.s32 $0xFFFFFFFF  }
0xab: {  	s26 =	simm.s32 $execute0_lowered;
	[smem:$0x3FD2] =	sst s25  }
0xac: {  	s6 =	sshll.u32 s26, $0x1;
	_ =	strace $0x80000046;
	[dreg:$0x1] =	wrdreg $0xFFFFFFFF  }
0xad: {  	s28 =	simm.s32 $_size_execute0_lowered;
	s4 =	sadd.s32 s4, s6;
	[dreg:$0x0] =	wrdreg $0x0  }
0xae: {  	s6 =	sshll.u32 s28, $0x1;
	[dreg:$0x2] =	wrdreg s4  }
0xaf: {  	[dreg:$0x3] =	wrdreg s6  }
0xb0: {  	[dreg:$0x4] =	wrdreg $0xC0  }
0xb1: {  	_ =	task [dreg:s8], $0x5FFFF  }
0xb2: {  	[dreg:$0x1] =	wrdreg $0xFFFFFFFF  }
0xb3: {  	[dreg:$0x0] =	wrdreg $0x60  }
0xb4: {  	[dreg:$0x2] =	wrdreg s15  }
0xb5: {  	[dreg:$0x3] =	wrdreg s24  }
0xb6: {  	[dreg:$0x4] =	wrdreg s16  }
0xb7: {  	[dreg:$0x5] =	wrdreg $0x12A000  }
0xb8: {  	[dreg:$0x6] =	wrdreg $0x1AA000  }
0xb9: {  	[dreg:$0x7] =	wrdreg $0x9  }
0xba: {  	_ =	task.clear_ibuf [dreg:s8], $0x8FFFF;
	_ =	strace $0x90000046  }
0xbb: {  	s29 =	simm.s32 $0x9;
	_ =	strace $0x80000048  }
0xbc: {  	_ =	swait.ge [sflag:s29], $0x1  }
0xbd: {  	[sflag:s29] =	ssyncadd.s32 $0xFFFFFFFF  }
0xbe: {  	_ =	strace $0x90000048  }
0xbf: {  	_ =	sfence  }
0xc0: {  	s30 =	sld [smem:$0x0];
	_ =	sdelay $0x2  }
0xc1: {  	s31 =	sshll.u32 s1, $0xD;
	s1 =	sshrl.u32 s1, $0x2  }
0xc2: {  	s3 =	sand.u32 $0x4000, s31;
	s1 =	sadd.s32 s1, s30  }
0xc3: {  	s0 =	sor.u32 s3, s0;
	s1 =	sshll.u32 s1, $0x11  }
0xc4: {  	s0 =	sor.u32 s1, s0  }
0xc5: {  	s0 =	sadd.s32 $0x8F2B, s0  }
0xc6: {  	[sflag:s0] =	ssyncadd.remote.s32 $0x1  }
0xc7: {  	_ =	sfence.sel $0xFFFF  }
0xc8: {  	[dreg:$0x0] =	wrdreg $0xFFFFFFFF;
	(pc) =	sbr.abs _section_cstart, $3  }
0xc9: {  	[dreg:$0x1] =	wrdreg $0xFFFFFFFF  }
0xca: {  	_ =	task.clear_ibuf [dreg:s8], $0x2FFFF;
	_ =	strace $0x9FFFFFFF  }
0xcb: {  	(tm) =	ssettm $0x7FFFFFFF  }
tec
execute0_lowered:
.L_overlay_start_1:
0x0: {  	(tag) =	ssettag $0x1  }
0x1: {  	s10 =	rddreg [dreg:$0x0]  }
0x2: {  	s0 =	rddreg [dreg:$0x1]  }
0x3: {  	s5 =	rddreg [dreg:$0x3]  }
0x4: {  	s6 =	rddreg [dreg:$0x4];
	s7 =	simm.s32 $0x0  }
0x5: {  	s1 =	srdreg.scid;
	s8 =	stileid.u32;
	s31 =	simm.s32 $0x7  }
0x6: {  	s15 =	simm.s32 $0x400;
	s16 =	simm.s32 $0x11800;
	s17 =	simm.s32 $0x11C80  }
0x7: {  	s18 =	simm.s32 $0x11D80;
	[smem:$0x7FF] =	sst s7;
	s1 =	sand.u32 $0x1, s1  }
0x8: {  	s2 =	sadd.s32 $0x800, s0;
	s0 =	sadd.s32 $0x40800, s0;
	s3 =	sshll.u32 s8, $0x1  }
0x9: {  	s4 =	sshll.u32 s8, $0xC;
	s26 =	sshll.u32 s8, $0x7;
	s29 =	sshll.u32 s8, $0x8  }
0xa: {  	p1 =	sgt.u32 s8, $0x7;
	_ =	strace $0x80000047;
	[dreg:$0x7] =	wrdreg s2  }
0xb: {  	s23 =	ssub.s32 $0x2, s1;
	[dreg:$0x8] =	wrdreg s0;
	s25 =	sshll.u32 s1, $0x5  }
0xc: {  	[dreg:$0x9] =	wrdreg s4;
	s28 =	sadd.s32 s26, s5;
	s4 =	sadd.s32 s26, s6  }
0xd: {  	s11 =	sand.u32 $0x300, s29;
	s2 =	sor.u32 s3, s25;
	[dreg:$0xa] =	wrdreg s28  }
0xe: {  	p0 =	sne.s32 s1, $0x0;
	[dreg:$0xb] =	wrdreg s4;
	s2 =	sshrl.u32 s2, $0x3  }
0xf: {  	s24 =	sshrl.u32 s23, $0x1;
	[dreg:$0xd] =	wrdreg s11;
	s30 =	sshll.u32 s2, $0x13  }
0x10: {  	s0 =	ssub.s32 s23, s24;
	s2 =	sshll.u32 s2, $0x12;
	[dreg:$0xc] =	wrdreg s30  }
0x11: {  	s26 =	simm.s32 $0x11E80;
	s0 =	smax.u32 s0, $0x1;
	[dreg:$0xe] =	wrdreg s2  }
0x12: {  	v0 =	vimm.f32 $0.0e+00;
	v1 =	vimm.f32 $1.000000000e+00;
	s25 =	simm.s32 $0x9400;
	s24 =	simm.s32 $0x1400;
	[dreg:$0xf] =	wrdreg s0  }
.LBB2_1:
0x13: {  	[dreg:$0x6] =	wrdreg s7;
	s22 =	simm.s32 $0x0  }
.LBB2_2:
0x14: {  	s0 =	sshll.u32 s22, $0xA  }
0x15: {  	s1 =	rddreg [dreg:$0x9];
	s0 =	sand.u32 $0xC00, s0  }
0x16: {  	s2 =	sshrl.u32 s22, $0x2;
	s1 =	sor.u32 s1, s0  }
0x17: {  	s23 =	sshll.u32 s2, $0x12;
	[dreg:$0x11] =	wrdreg s1;
	s1 =	sshll.u32 s1, $0x2  }
0x18: {  	s28 =	rddreg [dreg:$0x7];
	s0 =	sor.u32 s23, s1  }
0x19: {  	[dreg:$0x10] =	wrdreg s2;
	s1 =	sshrl.u32 s0, $0x3  }
0x1a: {  	s14 =	simm.s32 $0x0;
	[dreg:$0x12] =	wrdreg s1;
	s0 =	sadd.s32 s28, s1  }
0x1b: {  	[tilespmem:s14], [sflag:$0x7] =	stream.linear.gather [hbm4b:s0+s14], $0x1000, $0x38;
	[tilespmem:$0x1EA00] =	vst v63  }
0x1c: {  	s2 =	sand.u32 $0x40, s14;
	_ =	swait.ge [sflag:s31], $0x1000  }
0x1d: {  	s3 =	sand.u32 $0xE00, s14;
	s0 =	sor.u32 $0x30, s2;
	[sflag:s31] =	ssyncset.done $0x0  }
0x1e: {  	s6 =	sor.u32 s0, s3;
	[sflag:s31] =	ssyncadd.s32 $0xFFFFF000  }
0x1f: {  	s13 =	sor.u32 $0x10, s2;
	v2 =	vld [tilespmem:s6+$0x0]  }
0x20: {  	s20 =	sor.u32 s13, s3;
	v3 =	vld [tilespmem:s6+$0x80]  }
0x21: {  	s21 =	sor.u32 $0x20, s2;
	v4 =	vld [tilespmem:s20+$0x0]  }
0x22: {  	s23 =	sor.u32 s21, s3;
	v5 =	vld [tilespmem:s20+$0x80]  }
0x23: {  	v6 =	vld [tilespmem:s23+$0x0]  }
0x24: {  	v7 =	vld [tilespmem:s6+$0x100]  }
0x25: {  	s30 =	simm.s32 $0x40;
	s3 =	sor.u32 s2, s3;
	v8 =	vld [tilespmem:s23+$0x80]  }
0x26: {  	s8 =	simm.s32 $0x100;
	s1 =	sand.u32 $0x40, s30;
	v9 =	vld [tilespmem:s3+$0x0]  }
0x27: {  	s19 =	sor.u32 $0x30, s1;
	s2 =	sand.u32 $0xE00, s8;
	v10 =	vld [tilespmem:s3+$0x80]  }
0x28: {  	s29 =	sor.u32 s19, s2;
	v14 =	vld [tilespmem:s20+$0x100]  }
0x29: {  	v22 =	vld [tilespmem:s29+$0x0]  }
0x2a: {  	v24 =	vld [tilespmem:s29+$0x80];
	v2 =	vmul.f32 $3.200000000e+01, v2;
	v3 =	vmul.f32 $3.200000000e+01, v3  }
0x2b: {  	v4 =	vmul.f32 $3.200000000e+01, v4;
	v5 =	vmul.f32 $3.200000000e+01, v5  }
0x2c: {  	v6 =	vmul.f32 $3.200000000e+01, v6;
	v7 =	vmul.f32 $3.200000000e+01, v7  }
0x2d: {  	v8 =	vmul.f32 $3.200000000e+01, v8;
	v9 =	vmul.f32 $3.200000000e+01, v9  }
0x2e: {  	v10 =	vmul.f32 $3.200000000e+01, v10;
	v14 =	vmul.f32 $3.200000000e+01, v14  }
0x2f: {  	v22 =	vmul.f32 $3.200000000e+01, v22;
	v58 =	vmul.f32 $3.200000000e+01, v24;
	v2 =	vmax.f32 v2, $0.0e+00  }
0x30: {  	v3 =	vmax.f32 v3, $0.0e+00;
	v4 =	vmax.f32 v4, $0.0e+00;
	v5 =	vmax.f32 v5, $0.0e+00  }
0x31: {  	v7 =	vmax.f32 v7, $0.0e+00;
	v9 =	vmax.f32 v9, $0.0e+00;
	v6 =	vmax.f32 v6, $0.0e+00  }
0x32: {  	v8 =	vmax.f32 v8, $0.0e+00;
	v10 =	vmax.f32 v10, $0.0e+00;
	v14 =	vmax.f32 v14, $0.0e+00  }
0x33: {  	v2 =	vmin.f32 v2, $3.100000000e+01;
	v3 =	vmin.f32 v3, $3.100000000e+01;
	v7 =	vmin.f32 v7, $3.100000000e+01  }
0x34: {  	v15 =	vmin.f32 v4, $3.100000000e+01;
	v5 =	vmin.f32 v5, $3.100000000e+01;
	v11 =	vadd.f32 $8.388608000e+06, v2  }
0x35: {  	v6 =	vmin.f32 v6, $3.100000000e+01;
	v12 =	vadd.f32 $8.388608000e+06, v3;
	v13 =	vadd.f32 $8.388608000e+06, v7  }
0x36: {  	v9 =	vmin.f32 v9, $3.100000000e+01;
	v16 =	vadd.f32 $8.388608000e+06, v5;
	v17 =	vadd.f32 $8.388608000e+06, v6  }
0x37: {  	v8 =	vmin.f32 v8, $3.100000000e+01;
	v11 =	vadd.f32 $-8.388608000e+06, v11;
	v12 =	vadd.f32 $-8.388608000e+06, v12  }
0x38: {  	v4 =	vld [tilespmem:s3+$0x100];
	v10 =	vmin.f32 v10, $3.100000000e+01;
	v18 =	vadd.f32 $8.388608000e+06, v8;
	v19 =	vadd.f32 $8.388608000e+06, v9  }
0x39: {  	v20 =	vadd.f32 $8.388608000e+06, v10;
	v11 =	vmul.f32 $1.024000000e+03, v11;
	v12 =	vmul.f32 $3.200000000e+01, v12  }
0x3a: {  	v59 =	vmax.f32 v58, $0.0e+00;
	v13 =	vadd.f32 $-8.388608000e+06, v13;
	v16 =	vadd.f32 $-8.388608000e+06, v16  }
0x3b: {  	v14 =	vmin.f32 v14, $3.100000000e+01;
	v17 =	vadd.f32 $-8.388608000e+06, v17;
	v11 =	vadd.f32 v12, v11  }
0x3c: {  	v60 =	vmin.f32 v59, $3.100000000e+01;
	v19 =	vadd.f32 $-8.388608000e+06, v19;
	v18 =	vadd.f32 $-8.388608000e+06, v18  }
0x3d: {  	s4 =	sand.u32 $0x380, s14;
	s14 =	sor.u32 s1, s2;
	v4 =	vmul.f32 $3.200000000e+01, v4;
	v12 =	vld [tilespmem:s23+$0x100];
	v11 =	vadd.f32 v13, v11;
	v13 =	vadd.f32 $8.388608000e+06, v15  }
0x3e: {  	[tilespmem:s6+$0x100] =	vst v7;
	v7 =	vld [tilespmem:s14+$0x0];
	v20 =	vadd.f32 $-8.388608000e+06, v20;
	v17 =	vmul.f32 $1.024000000e+03, v17;
	v18 =	vmul.f32 $3.200000000e+01, v18  }
0x3f: {  	v16 =	vmul.f32 $3.200000000e+01, v16;
	v19 =	vmul.f32 $1.024000000e+03, v19;
	v13 =	vadd.f32 $-8.388608000e+06, v13  }
0x40: {  	s28 =	sor.u32 $0x20, s1;
	v20 =	vmul.f32 $3.200000000e+01, v20;
	v4 =	vmax.f32 v4, $0.0e+00;
	v17 =	vadd.f32 v18, v17  }
0x41: {  	s7 =	sor.u32 $0x10, s1;
	s12 =	sor.u32 s28, s2;
	v21 =	vmin.f32 v4, $3.100000000e+01;
	v4 =	vadd.f32 $8.388608000e+06, v14;
	v13 =	vmul.f32 $1.024000000e+03, v13  }
0x42: {  	s9 =	sor.u32 s7, s2;
	v57 =	vld [tilespmem:s12+$0x0];
	[tilespmem:s6+$0x0] =	vst v2;
	v19 =	vadd.f32 v20, v19;
	v25 =	vadd.f32 $8.388608000e+06, v21;
	v12 =	vmul.f32 $3.200000000e+01, v12  }
0x43: {  	[tilespmem:s3+$0x80] =	vst v10;
	v10 =	vld [tilespmem:s9+$0x100];
	v7 =	vmul.f32 $3.200000000e+01, v7;
	v4 =	vadd.f32 $-8.388608000e+06, v4;
	v13 =	vadd.f32 v16, v13  }
0x44: {  	[tilespmem:s6+$0x80] =	vst v3;
	v11 =	vtrunc.f32 v11;
	v2 =	vadd.f32 $-8.388608000e+06, v25;
	v12 =	vmax.f32 v12, $0.0e+00  }
0x45: {  	s4 =	sor.u32 $0x1000, s4;
	[tilespmem:s20+$0x0] =	vst v15;
	v11 =	vcvt.f32.s32 v11;
	v12 =	vmin.f32 v12, $3.100000000e+01;
	v4 =	vadd.f32 v4, v13;
	v13 =	vld [tilespmem:s29+$0x100]  }
0x46: {  	s0 =	sor.u32 s0, s4;
	[tilespmem:s20+$0x80] =	vst v5;
	v18 =	vld [tilespmem:s9+$0x80];
	v2 =	vadd.f32 v2, v19;
	v19 =	vmax.f32 v22, $0.0e+00;
	v23 =	vadd.f32 $8.388608000e+06, v12  }
0x47: {  	v15 =	vmul.f32 $3.200000000e+01, v57;
	v22 =	vadd.f32 $8.388608000e+06, v60;
	[tilespmem:s0+$0x0] =	vst v11;
	v11 =	vld [tilespmem:s14+$0x80];
	v19 =	vmin.f32 v19, $3.100000000e+01  }
0x48: {  	[tilespmem:s23+$0x80] =	vst v8;
	v63 =	vmul.f32 $3.200000000e+01, v10;
	v16 =	vld [tilespmem:s9+$0x0];
	v5 =	vadd.f32 $8.388608000e+06, v19;
	v23 =	vadd.f32 $-8.388608000e+06, v23  }
0x49: {  	v7 =	vmax.f32 v7, $0.0e+00;
	v8 =	vadd.f32 $-8.388608000e+06, v22;
	[tilespmem:s23+$0x100] =	vst v12;
	v12 =	vmax.f32 v15, $0.0e+00  }
0x4a: {  	v5 =	vadd.f32 $-8.388608000e+06, v5;
	v3 =	vadd.f32 v23, v17;
	v17 =	vld [tilespmem:s12+$0x80];
	v13 =	vmul.f32 $3.200000000e+01, v13  }
0x4b: {  	v18 =	vmul.f32 $3.200000000e+01, v18;
	v8 =	vmul.f32 $3.200000000e+01, v8;
	v12 =	vmin.f32 v12, $3.100000000e+01  }
0x4c: {  	[tilespmem:s3+$0x0] =	vst v9;
	v9 =	vmul.f32 $3.200000000e+01, v11;
	v5 =	vmul.f32 $1.024000000e+03, v5;
	v13 =	vmax.f32 v13, $0.0e+00  }
0x4d: {  	v4 =	vtrunc.f32 v4;
	v16 =	vmul.f32 $3.200000000e+01, v16;
	v13 =	vmin.f32 v13, $3.100000000e+01  }
0x4e: {  	[tilespmem:s23+$0x0] =	vst v6;
	v9 =	vmax.f32 v9, $0.0e+00;
	v5 =	vadd.f32 v8, v5;
	v11 =	vadd.f32 $8.388608000e+06, v13  }
0x4f: {  	[tilespmem:s20+$0x100] =	vst v14;
	v6 =	vmax.f32 v16, $0.0e+00;
	v16 =	vmax.f32 v18, $0.0e+00;
	v17 =	vmul.f32 $3.200000000e+01, v17  }
0x50: {  	[tilespmem:s29+$0x80] =	vst v60;
	v8 =	vld [tilespmem:s12+$0x100];
	v18 =	vadd.f32 $8.388608000e+06, v12;
	v15 =	vmin.f32 v6, $3.100000000e+01;
	v11 =	vadd.f32 $-8.388608000e+06, v11  }
0x51: {  	[tilespmem:s3+$0x100] =	vst v21;
	v16 =	vmin.f32 v16, $3.100000000e+01;
	v6 =	vmin.f32 v7, $3.100000000e+01;
	v14 =	vmax.f32 v17, $0.0e+00;
	v17 =	vld [tilespmem:s14+$0x100]  }
0x52: {  	[tilespmem:s29+$0x0] =	vst v19;
	v19 =	vadd.f32 $8.388608000e+06, v6;
	v7 =	vmin.f32 v14, $3.100000000e+01;
	v11 =	vadd.f32 v11, v5  }
0x53: {  	[tilespmem:s12+$0x0] =	vst v12;
	v10 =	vadd.f32 $-8.388608000e+06, v18;
	v61 =	vadd.f32 $8.388608000e+06, v7;
	v5 =	vmin.f32 v9, $3.100000000e+01  }
0x54: {  	s13 =	sor.u32 s13, s4;
	s6 =	sand.u32 $0x380, s30;
	[tilespmem:s9+$0x0] =	vst v15;
	v9 =	vadd.f32 $8.388608000e+06, v15;
	v15 =	vadd.f32 $8.388608000e+06, v16;
	v14 =	vtrunc.f32 v11  }
0x55: {  	s20 =	simm.s32 $0x0;
	s3 =	simm.s32 $0x4;
	s0 =	sor.u32 $0x1000, s6;
	[tilespmem:s9+$0x80] =	vst v16;
	v12 =	vadd.f32 $-8.388608000e+06, v61;
	v11 =	vadd.f32 $8.388608000e+06, v5;
	v62 =	vcvt.f32.s32 v14  }
0x56: {  	s19 =	sor.u32 s19, s0;
	s31 =	sor.u32 s7, s0;
	s30 =	sor.u32 s28, s0;
	[tilespmem:s29+$0x100] =	vst v13;
	v9 =	vadd.f32 $-8.388608000e+06, v9;
	v16 =	vmul.f32 $3.200000000e+01, v17;
	v14 =	vmul.f32 $3.200000000e+01, v8  }
0x57: {  	s23 =	sor.u32 s21, s4;
	s21 =	simm.s32 $0x40;
	s29 =	simm.s32 $0x80;
	v13 =	vadd.f32 $-8.388608000e+06, v15;
	v15 =	vmax.f32 v63, $0.0e+00;
	v8 =	vadd.f32 $-8.388608000e+06, v19;
	[tilespmem:s19+$0x0] =	vst v62  }
.LBB2_3:
0x58: {  	s1 =	sand.u32 $0x40, s29;
	v11 =	vadd.f32 $-8.388608000e+06, v11;
	v16 =	vmax.f32 v16, $0.0e+00;
	[tilespmem:s12+$0x80] =	vst v7;
	v7 =	vmax.f32 v14, $0.0e+00;
	s8 =	sadd.s32 $0x100, s8  }
0x59: {  	s3 =	sadd.s32 $0x4, s3;
	v14 =	vmin.f32 v15, $3.100000000e+01;
	s2 =	sand.u32 $0xE00, s8;
	s7 =	sor.u32 $0x30, s1;
	[tilespmem:s14+$0x0] =	vst v6;
	v6 =	vmin.f32 v16, $3.100000000e+01;
	v7 =	vmin.f32 v7, $3.100000000e+01  }
0x5a: {  	v9 =	vmul.f32 $1.024000000e+03, v9;
	v13 =	vmul.f32 $3.200000000e+01, v13;
	s6 =	sor.u32 $0x10, s1;
	p2 =	slt.u32 s3, $0x3C;
	s0 =	sor.u32 s7, s2;
	[tilespmem:s9+$0x100] =	vst v14;
	v14 =	vadd.f32 $8.388608000e+06, v14  }
0x5b: {  	v10 =	vmul.f32 $1.024000000e+03, v10;
	s19 =	sor.u32 $0x20, s1;
	v12 =	vmul.f32 $3.200000000e+01, v12;
	s4 =	sor.u32 s1, s2;
	s9 =	sor.u32 s6, s2;
	v15 =	vld [tilespmem:s0+$0x0];
	[tilespmem:s12+$0x100] =	vst v7;
	v7 =	vadd.f32 $8.388608000e+06, v7  }
0x5c: {  	v8 =	vmul.f32 $1.024000000e+03, v8;
	s1 =	sshra.s32 s8, $0x2;
	v11 =	vmul.f32 $3.200000000e+01, v11;
	s12 =	sor.u32 s19, s2;
	v16 =	vld [tilespmem:s0+$0x80];
	[tilespmem:s14+$0x80] =	vst v5;
	v5 =	vadd.f32 $8.388608000e+06, v6  }
0x5d: {  	v3 =	vtrunc.f32 v3;
	v17 =	vld [tilespmem:s9+$0x0];
	[tilespmem:s14+$0x100] =	vst v6;
	v6 =	vadd.f32 v13, v9;
	v9 =	vadd.f32 v12, v10;
	s14 =	smov.u32 s4  }
0x5e: {  	v2 =	vtrunc.f32 v2;
	v8 =	vadd.f32 v11, v8;
	v11 =	vadd.f32 $-8.388608000e+06, v14;
	v10 =	vld [tilespmem:s9+$0x80]  }
0x5f: {  	v4 =	vcvt.f32.s32 v4;
	v7 =	vadd.f32 $-8.388608000e+06, v7;
	v5 =	vadd.f32 $-8.388608000e+06, v5;
	v12 =	vld [tilespmem:s12+$0x0]  }
0x60: {  	v14 =	vcvt.f32.s32 v3;
	v6 =	vadd.f32 v11, v6;
	v11 =	vcvt.f32.s32 v2;
	v13 =	vld [tilespmem:s0+$0x100]  }
0x61: {  	v3 =	vadd.f32 v7, v9;
	v15 =	vmul.f32 $3.200000000e+01, v15;
	v18 =	vld [tilespmem:s12+$0x80];
	v16 =	vmul.f32 $3.200000000e+01, v16;
	[tilespmem:s13+$0x0] =	vst v4;
	s13 =	smov.u32 s31  }
0x62: {  	v2 =	vadd.f32 v5, v8;
	v4 =	vtrunc.f32 v6;
	v7 =	vld [tilespmem:s14+$0x0];
	v9 =	vmul.f32 $3.200000000e+01, v17;
	[tilespmem:s23+$0x0] =	vst v14;
	s23 =	smov.u32 s30  }
0x63: {  	v8 =	vmax.f32 v15, $0.0e+00;
	v5 =	vld [tilespmem:s14+$0x80];
	v6 =	vmul.f32 $3.200000000e+01, v10;
	v10 =	vmax.f32 v16, $0.0e+00;
	[tilespmem:s20+$0x1000] =	vst v11;
	s20 =	smov.u32 s21;
	s21 =	smov.u32 s1  }
0x64: {  	v8 =	vmin.f32 v8, $3.100000000e+01;
	v14 =	vld [tilespmem:s9+$0x100];
	v11 =	vmul.f32 $3.200000000e+01, v12;
	v10 =	vmin.f32 v10, $3.100000000e+01  }
0x65: {  	v15 =	vadd.f32 $8.388608000e+06, v8;
	v12 =	vld [tilespmem:s12+$0x100];
	v16 =	vadd.f32 $8.388608000e+06, v10;
	v13 =	vmul.f32 $3.200000000e+01, v13  }
0x66: {  	v9 =	vmax.f32 v9, $0.0e+00;
	v6 =	vmax.f32 v6, $0.0e+00;
	v17 =	vld [tilespmem:s14+$0x100];
	v18 =	vmul.f32 $3.200000000e+01, v18  }
0x67: {  	v15 =	vadd.f32 $-8.388608000e+06, v15;
	v16 =	vadd.f32 $-8.388608000e+06, v16;
	v13 =	vmax.f32 v13, $0.0e+00  }
0x68: {  	v7 =	vmul.f32 $3.200000000e+01, v7;
	v5 =	vmul.f32 $3.200000000e+01, v5;
	v13 =	vmin.f32 v13, $3.100000000e+01  }
0x69: {  	v15 =	vmul.f32 $1.024000000e+03, v15;
	v19 =	vadd.f32 $8.388608000e+06, v13;
	v16 =	vmul.f32 $3.200000000e+01, v16  }
0x6a: {  	v11 =	vmax.f32 v11, $0.0e+00;
	v18 =	vmax.f32 v18, $0.0e+00;
	v7 =	vmax.f32 v7, $0.0e+00  }
0x6b: {  	v5 =	vmax.f32 v5, $0.0e+00;
	v19 =	vadd.f32 $-8.388608000e+06, v19;
	v15 =	vadd.f32 v16, v15  }
0x6c: {  	v9 =	vmin.f32 v9, $3.100000000e+01;
	v20 =	vmin.f32 v11, $3.100000000e+01;
	v16 =	vmin.f32 v6, $3.100000000e+01  }
0x6d: {  	v6 =	vmin.f32 v7, $3.100000000e+01;
	v7 =	vmin.f32 v18, $3.100000000e+01;
	[tilespmem:s9+$0x0] =	vst v9;
	v11 =	vadd.f32 v19, v15  }
0x6e: {  	v5 =	vmin.f32 v5, $3.100000000e+01;
	v9 =	vadd.f32 $8.388608000e+06, v9;
	v15 =	vadd.f32 $8.388608000e+06, v16;
	[tilespmem:s9+$0x80] =	vst v16  }
.Ltmp0:
0x6f: {  	s1 =	sand.u32 $0x380, s29;
	v18 =	vadd.f32 $8.388608000e+06, v20;
	v19 =	vadd.f32 $8.388608000e+06, v7;
	[tilespmem:s0+$0x0] =	vst v8;
	v8 =	vtrunc.f32 v11;
	(pc) =	sbr.rel @p2 .LBB2_3-.Ltmp0, $4  }
0x70: {  	s1 =	sor.u32 $0x1000, s1;
	v21 =	vadd.f32 $8.388608000e+06, v6;
	v11 =	vadd.f32 $8.388608000e+06, v5;
	[tilespmem:s0+$0x80] =	vst v10;
	v8 =	vcvt.f32.s32 v8  }
0x71: {  	s31 =	sor.u32 s6, s1;
	s30 =	sor.u32 s19, s1;
	v22 =	vmul.f32 $3.200000000e+01, v14;
	v14 =	vmul.f32 $3.200000000e+01, v12;
	v9 =	vadd.f32 $-8.388608000e+06, v9;
	[tilespmem:s0+$0x100] =	vst v13;
	s0 =	sor.u32 s7, s1  }
0x72: {  	v16 =	vmul.f32 $3.200000000e+01, v17;
	v10 =	vadd.f32 $-8.388608000e+06, v18;
	v13 =	vadd.f32 $-8.388608000e+06, v15;
	[tilespmem:s0+$0x0] =	vst v8  }
0x73: {  	s29 =	sadd.s32 $0x40, s29;
	v12 =	vadd.f32 $-8.388608000e+06, v19;
	v15 =	vmax.f32 v22, $0.0e+00;
	v8 =	vadd.f32 $-8.388608000e+06, v21;
	[tilespmem:s12+$0x0] =	vst v20  }
0x74: {  	v11 =	vadd.f32 $-8.388608000e+06, v11  }
0x75: {  	v16 =	vmax.f32 v16, $0.0e+00;
	v9 =	vmul.f32 $1.024000000e+03, v9;
	v13 =	vmul.f32 $3.200000000e+01, v13  }
0x76: {  	v14 =	vmax.f32 v14, $0.0e+00;
	v15 =	vmin.f32 v15, $3.100000000e+01;
	v10 =	vmul.f32 $1.024000000e+03, v10  }
0x77: {  	v16 =	vmin.f32 v16, $3.100000000e+01;
	v14 =	vmin.f32 v14, $3.100000000e+01;
	v56 =	vadd.f32 $8.388608000e+06, v15  }
0x78: {  	[tilespmem:s12+$0x80] =	vst v7;
	v12 =	vmul.f32 $3.200000000e+01, v12;
	v8 =	vmul.f32 $1.024000000e+03, v8;
	v9 =	vadd.f32 v13, v9  }
0x79: {  	[tilespmem:s14+$0x0] =	vst v6;
	v57 =	vadd.f32 $8.388608000e+06, v14;
	v58 =	vadd.f32 $8.388608000e+06, v16;
	v11 =	vmul.f32 $3.200000000e+01, v11  }
0x7a: {  	[tilespmem:s14+$0x80] =	vst v5;
	v10 =	vadd.f32 v12, v10;
	v59 =	vadd.f32 $-8.388608000e+06, v56  }
0x7b: {  	v3 =	vtrunc.f32 v3;
	[tilespmem:s9+$0x100] =	vst v15;
	v8 =	vadd.f32 v11, v8;
	v7 =	vadd.f32 $-8.388608000e+06, v57  }
0x7c: {  	v4 =	vcvt.f32.s32 v4;
	[tilespmem:s12+$0x100] =	vst v14;
	v60 =	vadd.f32 $-8.388608000e+06, v58;
	v61 =	vadd.f32 v59, v9  }
0x7d: {  	v2 =	vtrunc.f32 v2;
	v3 =	vcvt.f32.s32 v3;
	[tilespmem:s14+$0x100] =	vst v16;
	v7 =	vadd.f32 v7, v10  }
0x7e: {  	v2 =	vcvt.f32.s32 v2;
	[tilespmem:s13+$0x0] =	vst v4;
	v62 =	vadd.f32 v60, v8;
	v63 =	vtrunc.f32 v61  }
0x7f: {  	[tilespmem:s23+$0x0] =	vst v3;
	v3 =	vtrunc.f32 v7;
	v5 =	vcvt.f32.s32 v63  }
0x80: {  	[tilespmem:s20+$0x1000] =	vst v2;
	v2 =	vtrunc.f32 v62;
	v3 =	vcvt.f32.s32 v3  }
0x81: {  	v2 =	vcvt.f32.s32 v2;
	[tilespmem:s31+$0x0] =	vst v5  }
0x82: {  	[tilespmem:s30+$0x0] =	vst v3  }
0x83: {  	[tilespmem:s21+$0x1000] =	vst v2  }
0x84: {  	s0 =	rddreg [dreg:$0x8]  }
0x85: {  	s1 =	rddreg [dreg:$0x12]  }
0x86: {  	s0 =	sadd.s32 @!p0 s0, s1;
	s1 =	simm.s32 @!p0 $0x0  }
0x87: {  	[hbm4b:s0+s1] =	stream.linear.scatter @!p0 [tilespmem:s1], [sflag:$0x7], $0x1000, $0x38;
	[tilespmem:$0x1EA00] =	vst v63  }
0x88: {  	s0 =	simm.s32 @!p0 $0x7  }
0x89: {  	_ =	swait.ge @!p0 [sflag:s0], $0x1000  }
0x8a: {  	s29 =	simm.s32 $0x80;
	s22 =	sadd.s32 $0x1, s22;
	s23 =	rddreg [dreg:$0x11]  }
0x8b: {  	p2 =	sne.s32 s22, $0x20;
	s31 =	simm.s32 $0x7;
	s2 =	rddreg [dreg:$0x10]  }
0x8c: {  	s30 =	simm.s32 $0x1000;
	s1 =	sshll.u32 s23, $0x3;
	s2 =	sshll.u32 s2, $0x7  }
0x8d: {  	[sflag:s0] =	ssyncset.done @!p0 $0x0;
	s1 =	sadd.s32 s1, s5;
	s2 =	sand.u32 $0x3FFFFF80, s2  }
.Ltmp1:
0x8e: {  	[sflag:s0] =	ssyncadd.s32 @!p0 $0xFFFFF000;
	s28 =	sadd.s32 s2, s1;
	(pc) =	sbr.rel @p2 .LBB2_2-.Ltmp1, $4  }
0x8f: {  	[spmem:s28] =	stream.strided.scatter [tilespmem:s30], [sflag:$0x7], $0x400, s15, s29, $0x38;
	[tilespmem:$0x1EA00] =	vst v63  }
0x90: {  	_ =	swait.ge [sflag:s31], $0x400  }
0x91: {  	[sflag:s31] =	ssyncset.done $0x0  }
0x92: {  	[sflag:s31] =	ssyncadd.s32 $0xFFFFFC00  }
.Ltmp2:
0x93: {  	(pc) =	sbr.rel @p1 .LBB2_15-.Ltmp2, $2  }
0x94: {  	_ =	sdelay $0x1  }
0x95: {  	[bflag:$0x0] =	sbarrier.arrive $0xFFFF;
	_ =	sdelay $0x1  }
0x96: {  	s0 =	simm.s32 $0x1440  }
0x97: {  	[tilespmem:s0+$0xFFFFFFC0] =	vst v0  }
0x98: {  	[tilespmem:s0+$0x30] =	vst v0  }
0x99: {  	[tilespmem:s0+$0x20] =	vst v0  }
0x9a: {  	[tilespmem:s0+$0x10] =	vst v0  }
0x9b: {  	[tilespmem:s0+$0x0] =	vst v0  }
0x9c: {  	[tilespmem:s0+$0xFFFFFFF0] =	vst v0  }
0x9d: {  	[tilespmem:s0+$0xFFFFFFE0] =	vst v0  }
0x9e: {  	s1 =	simm.s32 $0x0;
	s3 =	rddreg [dreg:$0xa]  }
.LBB2_7:
0x9f: {  	s1 =	sadd.s32 $0x8, s1;
	[tilespmem:s0+$0xFFFFFFD0] =	vst v0;
	s0 =	sadd.s32 $0x80, s0  }
0xa0: {  	[tilespmem:s0+$0xFFFFFFC0] =	vst v0;
	p2 =	slt.u32 s1, $0x7F8  }
0xa1: {  	[tilespmem:s0+$0x30] =	vst v0  }
.Ltmp3:
0xa2: {  	[tilespmem:s0+$0x20] =	vst v0;
	(pc) =	sbr.rel @p2 .LBB2_7-.Ltmp3, $4  }
0xa3: {  	[tilespmem:s0+$0x10] =	vst v0  }
0xa4: {  	[tilespmem:s0+$0x0] =	vst v0  }
0xa5: {  	[tilespmem:s0+$0xFFFFFFF0] =	vst v0  }
0xa6: {  	[tilespmem:s0+$0xFFFFFFE0] =	vst v0  }
0xa7: {  	[tilespmem:s0+$0xFFFFFFD0] =	vst v0;
	s0 =	simm.s32 $0x0  }
.LBB2_9:
0xa8: {  	s1 =	sshll.u32 s0, $0xC  }
0xa9: {  	s1 =	sand.u32 $0x3FFFF000, s1  }
0xaa: {  	s2 =	simm.s32 $0x11C00;
	s1 =	sadd.s32 s1, s3  }
0xab: {  	[tilespmem:s2], [sflag:$0x7] =	stream.linear.gather [spmem:s1], $0x80, $0x38;
	[tilespmem:$0x1EA00] =	vst v63  }
0xac: {  	s4 =	simm.s32 $0x11D00;
	s23 =	sadd.s32 $0x400, s1  }
0xad: {  	[tilespmem:s4], [sflag:$0x7] =	stream.linear.gather [spmem:s23], $0x80, $0x38;
	[tilespmem:$0x1EA00] =	vst v63  }
0xae: {  	s29 =	simm.s32 $0x11E00;
	s28 =	sadd.s32 $0x800, s1  }
0xaf: {  	[tilespmem:s29], [sflag:$0x7] =	stream.linear.gather [spmem:s28], $0x80, $0x38;
	[tilespmem:$0x1EA00] =	vst v63  }
0xb0: {  	s30 =	simm.s32 $0x11F00;
	s1 =	sadd.s32 $0xC00, s1  }
0xb1: {  	[tilespmem:s30], [sflag:$0x7] =	stream.linear.gather [spmem:s1], $0x80, $0x38;
	[tilespmem:$0x1EA00] =	vst v63  }
0xb2: {  	_ =	swait.ge [sflag:s31], $0x200  }
0xb3: {  	[sflag:s31] =	ssyncset.done $0x0  }
0xb4: {  	s1 =	simm.s32 $0x11C40;
	[sflag:s31] =	ssyncadd.s32 $0xFFFFFE00  }
0xb5: {  	v3 =	vld [tilespmem:s1+$0xFFFFFFC0]  }
0xb6: {  	v4 =	vld [tilespmem:s1+$0x30]  }
0xb7: {  	v5 =	vld [tilespmem:s1+$0x20]  }
0xb8: {  	v6 =	vld [tilespmem:s1+$0x10]  }
0xb9: {  	v7 =	vld [tilespmem:s1+$0x0]  }
0xba: {  	v8 =	vld [tilespmem:s1+$0xFFFFFFF0]  }
0xbb: {  	v9 =	vld [tilespmem:s1+$0xFFFFFFE0]  }
0xbc: {  	v2 =	vld [tilespmem:s1+$0xFFFFFFD0]  }
0xbd: {  	[tilespmem:v3+s24+$0x0] =	vst.idx.add.f32.msk $0xffff, v1  }
0xbe: {  	[tilespmem:v4+s24+$0x0] =	vst.idx.add.f32.msk $0xffff, v1  }
0xbf: {  	[tilespmem:v5+s24+$0x0] =	vst.idx.add.f32.msk $0xffff, v1  }
0xc0: {  	[tilespmem:v6+s24+$0x0] =	vst.idx.add.f32.msk $0xffff, v1  }
0xc1: {  	[tilespmem:v7+s24+$0x0] =	vst.idx.add.f32.msk $0xffff, v1  }
0xc2: {  	[tilespmem:v8+s24+$0x0] =	vst.idx.add.f32.msk $0xffff, v1  }
0xc3: {  	s2 =	simm.s32 $0x0;
	[tilespmem:v9+s24+$0x0] =	vst.idx.add.f32.msk $0xffff, v1  }
.LBB2_10:
0xc4: {  	s2 =	sadd.s32 $0x8, s2;
	[tilespmem:v2+s24+$0x0] =	vst.idx.add.f32.msk $0xffff, v1;
	s1 =	sadd.s32 $0x100, s1  }
0xc5: {  	v3 =	vld [tilespmem:s1+$0xFFFFFFC0];
	p2 =	slt.u32 s2, $0x18  }
0xc6: {  	v4 =	vld [tilespmem:s1+$0x30]  }
0xc7: {  	v5 =	vld [tilespmem:s1+$0x20]  }
0xc8: {  	v6 =	vld [tilespmem:s1+$0x10]  }
0xc9: {  	v7 =	vld [tilespmem:s1+$0x0]  }
0xca: {  	v8 =	vld [tilespmem:s1+$0xFFFFFFF0]  }
0xcb: {  	v9 =	vld [tilespmem:s1+$0xFFFFFFE0]  }
0xcc: {  	v2 =	vld [tilespmem:s1+$0xFFFFFFD0]  }
0xcd: {  	[tilespmem:v3+s24+$0x0] =	vst.idx.add.f32.msk $0xffff, v1  }
0xce: {  	[tilespmem:v4+s24+$0x0] =	vst.idx.add.f32.msk $0xffff, v1  }
.Ltmp4:
0xcf: {  	[tilespmem:v5+s24+$0x0] =	vst.idx.add.f32.msk $0xffff, v1;
	(pc) =	sbr.rel @p2 .LBB2_10-.Ltmp4, $4  }
0xd0: {  	[tilespmem:v6+s24+$0x0] =	vst.idx.add.f32.msk $0xffff, v1  }
0xd1: {  	[tilespmem:v7+s24+$0x0] =	vst.idx.add.f32.msk $0xffff, v1  }
0xd2: {  	[tilespmem:v8+s24+$0x0] =	vst.idx.add.f32.msk $0xffff, v1  }
0xd3: {  	[tilespmem:v9+s24+$0x0] =	vst.idx.add.f32.msk $0xffff, v1  }
0xd4: {  	s0 =	sadd.s32 $0x1, s0  }
0xd5: {  	p2 =	sne.s32 s0, $0x80  }
.Ltmp5:
0xd6: {  	_ = 	snop;
	(pc) =	sbr.rel @p2 .LBB2_9-.Ltmp5, $2  }
0xd7: {  	_ =	sdelay $0x2  }
0xd8: {  	[tilespmem:v2+s24+$0x0] =	vst.idx.add.f32.msk $0xffff, v1  }
0xd9: {  	s0 =	simm.s32 $0x1420  }
0xda: {  	v2 =	vld [tilespmem:s0+$0x10]  }
0xdb: {  	v3 =	vld [tilespmem:s0+$0x0];
	_ =	sdelay $0x2  }
0xdc: {  	v4 =	vld [tilespmem:s0+$0xFFFFFFF0]  }
0xdd: {  	s30 =	simm.s32 $0x1460;
	v5 =	vld [tilespmem:s0+$0xFFFFFFE0];
	v2 =	vmax.f32 v2, $1.000000000e+00  }
0xde: {  	v3 =	vmax.f32 v3, $1.000000000e+00;
	(erf) = vrcp.f32 v2;
	v2 =	vld [tilespmem:s30+$0x10]  }
0xdf: {  	(erf) = vrcp.f32 v3;
	v3 =	vld [tilespmem:s30+$0x0]  }
0xe0: {  	v6 =	vld [tilespmem:s30+$0xFFFFFFF0]  }
0xe1: {  	v7 =	vld [tilespmem:s30+$0xFFFFFFE0];
	v4 =	vmax.f32 v4, $1.000000000e+00  }
0xe2: {  	v5 =	vmax.f32 v5, $1.000000000e+00;
	(erf) = vrcp.f32 v4  }
0xe3: {  	s1 =	simm.s32 $0x14A0;
	(erf) = vrcp.f32 v5;
	v2 =	vmax.f32 v2, $1.000000000e+00  }
0xe4: {  	v8 =	vld [tilespmem:s1+$0x10];
	v3 =	vmax.f32 v3, $1.000000000e+00;
	(erf) = vrcp.f32 v2  }
0xe5: {  	v4 =	vmax.f32 v6, $1.000000000e+00;
	(erf) = vrcp.f32 v3  }
0xe6: {  	v5 =	vmax.f32 v7, $1.000000000e+00;
	v2 =	vld [tilespmem:s1+$0xFFFFFFF0];
	(erf) = vrcp.f32 v4  }
0xe7: {  	v3 =	vld [tilespmem:s1+$0x0];
	v6 =	vpop (erf);
	(erf) = vrcp.f32 v5  }
0xe8: {  	s0 =	simm.s32 $0x9420;
	v4 =	vld [tilespmem:s1+$0xFFFFFFE0]  }
0xe9: {  	s2 =	simm.s32 $0x8;
	s3 =	simm.s32 $0x14E0;
	s1 =	simm.s32 $0x9420;
	v5 =	vmax.f32 v8, $1.000000000e+00;
	[tilespmem:s0+$0x10] =	vst v6;
	v6 =	vpop (erf)  }
.LBB2_13:
0xea: {  	s2 =	sadd.s32 $0x4, s2  }
0xeb: {  	v7 =	vld [tilespmem:s3+$0x10];
	[tilespmem:s0+$0x0] =	vst v6;
	s1 =	sadd.s32 $0x40, s1;
	v6 =	vpop (erf);
	p2 =	slt.u32 s2, $0x7FC  }
.Ltmp6:
0xec: {  	v8 =	vmax.f32 v2, $1.000000000e+00;
	v2 =	vld [tilespmem:s3+$0xFFFFFFF0];
	v9 =	vmax.f32 v3, $1.000000000e+00;
	(erf) = vrcp.f32 v5;
	[tilespmem:s0+$0xFFFFFFF0] =	vst v6;
	v5 =	vpop (erf);
	(pc) =	sbr.rel @p2 .LBB2_13-.Ltmp6, $4  }
0xed: {  	v3 =	vld [tilespmem:s3+$0x0];
	v10 =	vmax.f32 v4, $1.000000000e+00;
	(erf) = vrcp.f32 v9;
	[tilespmem:s0+$0xFFFFFFE0] =	vst v5;
	s0 =	smov.u32 s1  }
0xee: {  	v4 =	vld [tilespmem:s3+$0xFFFFFFE0];
	(erf) = vrcp.f32 v8  }
0xef: {  	(erf) = vrcp.f32 v10;
	v6 =	vpop (erf)  }
0xf0: {  	s3 =	sadd.s32 $0x40, s3;
	v5 =	vmax.f32 v7, $1.000000000e+00;
	[tilespmem:s1+$0x10] =	vst v6;
	v6 =	vpop (erf)  }
0xf1: {  	_ = 	snop  }
0xf2: {  	(erf) = vrcp.f32 v5;
	v2 =	vmax.f32 v2, $1.000000000e+00;
	v3 =	vmax.f32 v3, $1.000000000e+00  }
0xf3: {  	(erf) = vrcp.f32 v3;
	v3 =	vmax.f32 v4, $1.000000000e+00  }
0xf4: {  	(erf) = vrcp.f32 v2  }
0xf5: {  	[tilespmem:s0+$0x0] =	vst v6;
	v2 =	vpop (erf);
	(erf) = vrcp.f32 v3  }
0xf6: {  	[tilespmem:s0+$0xFFFFFFF0] =	vst v2;
	v3 =	vpop (erf)  }
0xf7: {  	s1 =	sadd.s32 $0x40, s1;
	[tilespmem:s0+$0xFFFFFFE0] =	vst v3;
	v2 =	vpop (erf)  }
0xf8: {  	[tilespmem:s1+$0x10] =	vst v2;
	v2 =	vpop (erf)  }
0xf9: {  	[tilespmem:s1+$0x0] =	vst v2;
	v2 =	vpop (erf)  }
0xfa: {  	[tilespmem:s1+$0xFFFFFFF0] =	vst v2;
	v2 =	vpop (erf)  }
0xfb: {  	s29 =	sadd.s32 $0x40, s1;
	[tilespmem:s1+$0xFFFFFFE0] =	vst v2;
	v2 =	vpop (erf)  }
0xfc: {  	[tilespmem:s29+$0x10] =	vst v2;
	v2 =	vpop (erf)  }
0xfd: {  	[tilespmem:s29+$0x0] =	vst v2;
	v2 =	vpop (erf)  }
0xfe: {  	[tilespmem:s29+$0xFFFFFFF0] =	vst v2;
	v2 =	vpop (erf)  }
0xff: {  	[tilespmem:s29+$0xFFFFFFE0] =	vst v2  }
0x100: {  	s30 =	simm.s32 $0x80;
	s0 =	rddreg [dreg:$0xb]  }
0x101: {  	[spmem:s0] =	stream.strided.scatter [tilespmem:s25], [sflag:$0x7], $0x8000, s15, s30, $0x38;
	[tilespmem:$0x1EA00] =	vst v63  }
0x102: {  	_ =	swait.ge [sflag:s31], $0x8000  }
0x103: {  	[sflag:s31] =	ssyncset.done $0x0  }
0x104: {  	[sflag:s31] =	ssyncadd.s32 $0xFFFF8000  }
.LBB2_15:
0x105: {  	[bflag:$0x0] =	sbarrier.arrive $0xFFFF;
	s0 =	simm.s32 $0x1440  }
0x106: {  	[tilespmem:s0+$0x30] =	vst v0  }
0x107: {  	[tilespmem:s0+$0xFFFFFFF0] =	vst v0  }
0x108: {  	[tilespmem:s0+$0xFFFFFFC0] =	vst v0  }
0x109: {  	[tilespmem:s0+$0xFFFFFFE0] =	vst v0  }
0x10a: {  	[tilespmem:s0+$0x10] =	vst v0  }
0x10b: {  	[tilespmem:s0+$0x20] =	vst v0  }
0x10c: {  	[tilespmem:s0+$0x0] =	vst v0  }
0x10d: {  	s1 =	simm.s32 $0x9440;
	[tilespmem:s0+$0xFFFFFFD0] =	vst v0  }
0x10e: {  	[tilespmem:s1+$0xFFFFFFC0] =	vst v0  }
0x10f: {  	[tilespmem:s1+$0x30] =	vst v0  }
0x110: {  	[tilespmem:s1+$0x20] =	vst v0  }
0x111: {  	[tilespmem:s1+$0x10] =	vst v0  }
0x112: {  	[tilespmem:s1+$0xFFFFFFE0] =	vst v0  }
0x113: {  	[tilespmem:s1+$0x0] =	vst v0  }
0x114: {  	s2 =	simm.s32 $0x0;
	[tilespmem:s1+$0xFFFFFFF0] =	vst v0  }
.LBB2_16:
0x115: {  	s2 =	sadd.s32 $0x8, s2;
	[tilespmem:s1+$0xFFFFFFD0] =	vst v0;
	s0 =	sadd.s32 $0x80, s0;
	s1 =	sadd.s32 $0x80, s1  }
0x116: {  	[tilespmem:s0+$0x30] =	vst v0;
	p2 =	slt.u32 s2, $0x7F8  }
0x117: {  	[tilespmem:s0+$0xFFFFFFF0] =	vst v0  }
0x118: {  	[tilespmem:s0+$0xFFFFFFC0] =	vst v0  }
0x119: {  	[tilespmem:s1+$0xFFFFFFC0] =	vst v0  }
0x11a: {  	[tilespmem:s1+$0x30] =	vst v0  }
0x11b: {  	[tilespmem:s0+$0xFFFFFFE0] =	vst v0  }
0x11c: {  	[tilespmem:s0+$0x10] =	vst v0  }
0x11d: {  	[tilespmem:s0+$0x20] =	vst v0  }
0x11e: {  	[tilespmem:s1+$0x20] =	vst v0  }
0x11f: {  	[tilespmem:s1+$0x10] =	vst v0  }
.Ltmp7:
0x120: {  	[tilespmem:s1+$0xFFFFFFE0] =	vst v0;
	(pc) =	sbr.rel @p2 .LBB2_16-.Ltmp7, $4  }
0x121: {  	[tilespmem:s0+$0x0] =	vst v0  }
0x122: {  	[tilespmem:s1+$0x0] =	vst v0  }
0x123: {  	[tilespmem:s1+$0xFFFFFFF0] =	vst v0  }
0x124: {  	s22 =	simm.s32 $0x0;
	[tilespmem:s0+$0xFFFFFFD0] =	vst v0  }
0x125: {  	s6 =	simm.s32 $0x11F80;
	s13 =	simm.s32 $0x1  }
0x126: {  	[tilespmem:s1+$0xFFFFFFD0] =	vst v0;
	s14 =	simm.s32 $0x3;
	s19 =	simm.s32 $0x2;
	s20 =	simm.s32 $0x4  }
.LBB2_18:
0x127: {  	s0 =	sshll.u32 s22, $0x16;
	s1 =	rddreg [dreg:$0xc]  }
0x128: {  	s0 =	sor.u32 s0, s1  }
0x129: {  	s3 =	sor.u32 s11, s0  }
0x12a: {  	s8 =	simm.s32 $0x100;
	s0 =	sshrl.u32 s3, $0x3  }
0x12b: {  	s2 =	simm.s32 $0x11400;
	s7 =	sshll.u32 s22, $0x7;
	s0 =	sadd.s32 s10, s0  }
0x12c: {  	[tilespmem:s2], [sflag:$0x1] =	stream.strided.gather [hbm4b:s0+s8], $0x400, s15, s8, $0x38;
	[tilespmem:$0x1EA00] =	vst v63  }
0x12d: {  	s9 =	simm.s32 $0x11C00;
	s8 =	sadd.s32 s7, s5  }
0x12e: {  	[tilespmem:s9], [sflag:$0x3] =	stream.linear.gather [spmem:s8], $0x80, $0x38;
	[tilespmem:$0x1EA00] =	vst v63  }
0x12f: {  	s21 =	simm.s32 $0x11D00;
	s12 =	sadd.s32 $0x400, s8  }
0x130: {  	[tilespmem:s21], [sflag:$0x3] =	stream.linear.gather [spmem:s12], $0x80, $0x38;
	[tilespmem:$0x1EA00] =	vst v63  }
0x131: {  	s28 =	simm.s32 $0x11E00;
	s23 =	sadd.s32 $0x800, s8  }
0x132: {  	[tilespmem:s28], [sflag:$0x3] =	stream.linear.gather [spmem:s23], $0x80, $0x38;
	[tilespmem:$0x1EA00] =	vst v63  }
0x133: {  	s30 =	simm.s32 $0x11F00;
	s29 =	sadd.s32 $0xC00, s8;
	s9 =	simm.s32 $0x0  }
0x134: {  	[tilespmem:s30], [sflag:$0x3] =	stream.linear.gather [spmem:s29], $0x80, $0x38;
	[tilespmem:$0x1EA00] =	vst v63  }
.LBB2_19:
0x135: {  	s12 =	sshll.u32 s9, $0xD  }
0x136: {  	s0 =	sor.u32 $0x1000, s12  }
0x137: {  	s1 =	sor.u32 s0, s3  }
0x138: {  	s1 =	sshrl.u32 s1, $0x3  }
0x139: {  	s2 =	simm.s32 $0x100;
	s1 =	sadd.s32 s10, s1  }
0x13a: {  	[tilespmem:s16], [sflag:$0x2] =	stream.strided.gather [hbm4b:s1+s2], $0x400, s15, s2, $0x38;
	[tilespmem:$0x1EA00] =	vst v63  }
0x13b: {  	s0 =	sadd.s32 s0, s8  }
0x13c: {  	[tilespmem:s17], [sflag:$0x4] =	stream.linear.gather [spmem:s0], $0x80, $0x38;
	[tilespmem:$0x1EA00] =	vst v63  }
0x13d: {  	s28 =	sadd.s32 $0x400, s0  }
0x13e: {  	[tilespmem:s18], [sflag:$0x4] =	stream.linear.gather [spmem:s28], $0x80, $0x38;
	[tilespmem:$0x1EA00] =	vst v63  }
0x13f: {  	s29 =	sadd.s32 $0x800, s0  }
0x140: {  	[tilespmem:s26], [sflag:$0x4] =	stream.linear.gather [spmem:s29], $0x80, $0x38;
	[tilespmem:$0x1EA00] =	vst v63  }
0x141: {  	s0 =	sadd.s32 $0xC00, s0  }
0x142: {  	[tilespmem:s6], [sflag:$0x4] =	stream.linear.gather [spmem:s0], $0x80, $0x38;
	[tilespmem:$0x1EA00] =	vst v63  }
0x143: {  	_ =	swait.ge [sflag:s13], $0x400  }
0x144: {  	[sflag:s13] =	ssyncset.done $0x0  }
0x145: {  	[sflag:s13] =	ssyncadd.s32 $0xFFFFFC00  }
0x146: {  	_ =	swait.ge [sflag:s14], $0x200  }
0x147: {  	[sflag:s14] =	ssyncset.done $0x0  }
0x148: {  	s30 =	simm.s32 $0x11C40;
	[sflag:s14] =	ssyncadd.s32 $0xFFFFFE00  }
0x149: {  	v2 =	vld [tilespmem:s30+$0x30]  }
0x14a: {  	v3 =	vld [tilespmem:s30+$0xFFFFFFD0]  }
0x14b: {  	s0 =	simm.s32 $0x11480;
	v4 =	vld [tilespmem:s30+$0xFFFFFFE0]  }
0x14c: {  	v5 =	vld [tilespmem:s0+$0xFFFFFFF0]  }
0x14d: {  	v6 =	vld [tilespmem:s30+$0xFFFFFFF0]  }
0x14e: {  	v7 =	vld [tilespmem:s30+$0x0]  }
0x14f: {  	v8 =	vld [tilespmem:s30+$0x10]  }
0x150: {  	v9 =	vld [tilespmem:s30+$0x20]  }
0x151: {  	v10 =	vld [tilespmem:s30+$0xFFFFFFC0]  }
0x152: {  	v11 =	vld [tilespmem:s0+$0xFFFFFF80]  }
0x153: {  	v12 =	vld [tilespmem:s0+$0xFFFFFF90]  }
0x154: {  	v13 =	vld [tilespmem:s0+$0xFFFFFFA0]  }
0x155: {  	v59 =	vld [tilespmem:s0+$0xFFFFFFC0]  }
0x156: {  	v14 =	vld [tilespmem:s0+$0xFFFFFFD0]  }
0x157: {  	v15 =	vld [tilespmem:s0+$0xFFFFFFE0]  }
0x158: {  	[tilespmem:v2+s24+$0x0] =	vst.idx.add.f32.msk $0xffff, v5  }
0x159: {  	[tilespmem:v10+s24+$0x0] =	vst.idx.add.f32.msk $0xffff, v11  }
0x15a: {  	[tilespmem:v3+s24+$0x0] =	vst.idx.add.f32.msk $0xffff, v12  }
0x15b: {  	[tilespmem:v4+s24+$0x0] =	vst.idx.add.f32.msk $0xffff, v13  }
0x15c: {  	[tilespmem:v7+s24+$0x0] =	vst.idx.add.f32.msk $0xffff, v59  }
0x15d: {  	[tilespmem:v8+s24+$0x0] =	vst.idx.add.f32.msk $0xffff, v14  }
0x15e: {  	v5 =	vld [tilespmem:s0+$0x70]  }
0x15f: {  	[tilespmem:v9+s24+$0x0] =	vst.idx.add.f32.msk $0xffff, v15  }
0x160: {  	v60 =	vld [tilespmem:s0+$0x10]  }
0x161: {  	v61 =	vld [tilespmem:s0+$0x20]  }
0x162: {  	v63 =	vld [tilespmem:s0+$0x40]  }
0x163: {  	[tilespmem:v2+s25+$0x0] =	vst.idx.add.f32.msk $0xffff, v5  }
0x164: {  	v2 =	vld [tilespmem:s0+$0xFFFFFFB0]  }
0x165: {  	v14 =	vld [tilespmem:s0+$0x50]  }
0x166: {  	v15 =	vld [tilespmem:s0+$0x60]  }
0x167: {  	[tilespmem:v3+s25+$0x0] =	vst.idx.add.f32.msk $0xffff, v60  }
0x168: {  	[tilespmem:v4+s25+$0x0] =	vst.idx.add.f32.msk $0xffff, v61  }
0x169: {  	[tilespmem:v6+s24+$0x0] =	vst.idx.add.f32.msk $0xffff, v2  }
0x16a: {  	v2 =	vld [tilespmem:s0+$0x0]  }
0x16b: {  	v62 =	vld [tilespmem:s0+$0x30]  }
0x16c: {  	[tilespmem:v7+s25+$0x0] =	vst.idx.add.f32.msk $0xffff, v63  }
0x16d: {  	[tilespmem:v8+s25+$0x0] =	vst.idx.add.f32.msk $0xffff, v14  }
0x16e: {  	[tilespmem:v9+s25+$0x0] =	vst.idx.add.f32.msk $0xffff, v15  }
0x16f: {  	[tilespmem:v10+s25+$0x0] =	vst.idx.add.f32.msk $0xffff, v2  }
0x170: {  	s1 =	simm.s32 $0x0;
	s2 =	simm.s32 $0x11D40;
	[tilespmem:v6+s25+$0x0] =	vst.idx.add.f32.msk $0xffff, v62  }
.LBB2_20:
0x171: {  	v2 =	vld [tilespmem:s2+$0x30];
	s1 =	sadd.s32 $0x8, s1  }
0x172: {  	v3 =	vld [tilespmem:s2+$0xFFFFFFD0];
	p2 =	slt.u32 s1, $0x18  }
0x173: {  	s0 =	sadd.s32 $0x100, s0;
	v4 =	vld [tilespmem:s2+$0xFFFFFFE0]  }
0x174: {  	v5 =	vld [tilespmem:s0+$0xFFFFFFF0]  }
0x175: {  	v6 =	vld [tilespmem:s2+$0xFFFFFFF0]  }
0x176: {  	v7 =	vld [tilespmem:s2+$0x0]  }
0x177: {  	v8 =	vld [tilespmem:s2+$0x10]  }
0x178: {  	v9 =	vld [tilespmem:s2+$0x20]  }
0x179: {  	[tilespmem:v2+s24+$0x0] =	vst.idx.add.f32.msk $0xffff, v5  }
0x17a: {  	v5 =	vld [tilespmem:s0+$0x70]  }
0x17b: {  	v10 =	vld [tilespmem:s2+$0xFFFFFFC0]  }
0x17c: {  	v11 =	vld [tilespmem:s0+$0xFFFFFF80]  }
0x17d: {  	v12 =	vld [tilespmem:s0+$0xFFFFFF90]  }
0x17e: {  	v13 =	vld [tilespmem:s0+$0xFFFFFFA0]  }
0x17f: {  	[tilespmem:v2+s25+$0x0] =	vst.idx.add.f32.msk $0xffff, v5  }
0x180: {  	v2 =	vld [tilespmem:s0+$0xFFFFFFB0]  }
0x181: {  	v5 =	vld [tilespmem:s0+$0xFFFFFFC0]  }
0x182: {  	v14 =	vld [tilespmem:s0+$0xFFFFFFD0]  }
0x183: {  	v15 =	vld [tilespmem:s0+$0xFFFFFFE0]  }
0x184: {  	[tilespmem:v10+s24+$0x0] =	vst.idx.add.f32.msk $0xffff, v11  }
0x185: {  	[tilespmem:v3+s24+$0x0] =	vst.idx.add.f32.msk $0xffff, v12  }
0x186: {  	[tilespmem:v4+s24+$0x0] =	vst.idx.add.f32.msk $0xffff, v13  }
0x187: {  	[tilespmem:v6+s24+$0x0] =	vst.idx.add.f32.msk $0xffff, v2  }
0x188: {  	[tilespmem:v7+s24+$0x0] =	vst.idx.add.f32.msk $0xffff, v5  }
0x189: {  	[tilespmem:v8+s24+$0x0] =	vst.idx.add.f32.msk $0xffff, v14  }
0x18a: {  	[tilespmem:v9+s24+$0x0] =	vst.idx.add.f32.msk $0xffff, v15  }
0x18b: {  	v2 =	vld [tilespmem:s0+$0x0]  }
0x18c: {  	v5 =	vld [tilespmem:s0+$0x10]  }
0x18d: {  	v11 =	vld [tilespmem:s0+$0x20]  }
0x18e: {  	v12 =	vld [tilespmem:s0+$0x30]  }
0x18f: {  	v13 =	vld [tilespmem:s0+$0x40]  }
0x190: {  	v14 =	vld [tilespmem:s0+$0x50]  }
0x191: {  	v15 =	vld [tilespmem:s0+$0x60]  }
0x192: {  	[tilespmem:v10+s25+$0x0] =	vst.idx.add.f32.msk $0xffff, v2  }
0x193: {  	[tilespmem:v3+s25+$0x0] =	vst.idx.add.f32.msk $0xffff, v5  }
.Ltmp8:
0x194: {  	[tilespmem:v4+s25+$0x0] =	vst.idx.add.f32.msk $0xffff, v11;
	(pc) =	sbr.rel @p2 .LBB2_20-.Ltmp8, $4  }
0x195: {  	[tilespmem:v6+s25+$0x0] =	vst.idx.add.f32.msk $0xffff, v12  }
0x196: {  	[tilespmem:v7+s25+$0x0] =	vst.idx.add.f32.msk $0xffff, v13  }
0x197: {  	[tilespmem:v8+s25+$0x0] =	vst.idx.add.f32.msk $0xffff, v14  }
0x198: {  	s2 =	sadd.s32 $0x100, s2;
	[tilespmem:v9+s25+$0x0] =	vst.idx.add.f32.msk $0xffff, v15  }
0x199: {  	p2 =	seq.s32 s9, $0x3F  }
0x19a: {  	s0 =	sadd.s32 @!p2 $0x2000, s12  }
0x19b: {  	s1 =	sadd.s32 @!p2 s3, s0  }
0x19c: {  	s2 =	simm.s32 @!p2 $0x100;
	s1 =	sshrl.u32 @!p2 s1, $0x3  }
0x19d: {  	s4 =	simm.s32 @!p2 $0x400;
	s5 =	simm.s32 @!p2 $0x11400;
	s1 =	sadd.s32 @!p2 s10, s1  }
0x19e: {  	[tilespmem:s5], [sflag:$0x1] =	stream.strided.gather @!p2 [hbm4b:s1+s2], $0x400, s4, s2, $0x38;
	[tilespmem:$0x1EA00] =	vst v63  }
0x19f: {  	s0 =	sadd.s32 @!p2 s0, s8;
	s1 =	simm.s32 @!p2 $0x11C00  }
0x1a0: {  	[tilespmem:s1], [sflag:$0x3] =	stream.linear.gather @!p2 [spmem:s0], $0x80, $0x38;
	[tilespmem:$0x1EA00] =	vst v63  }
0x1a1: {  	s2 =	simm.s32 @!p2 $0x11D00;
	s1 =	sadd.s32 @!p2 $0x400, s0  }
0x1a2: {  	[tilespmem:s2], [sflag:$0x3] =	stream.linear.gather @!p2 [spmem:s1], $0x80, $0x38;
	[tilespmem:$0x1EA00] =	vst v63  }
0x1a3: {  	s1 =	sadd.s32 @!p2 $0x800, s0;
	s2 =	simm.s32 @!p2 $0x11E00  }
0x1a4: {  	[tilespmem:s2], [sflag:$0x3] =	stream.linear.gather @!p2 [spmem:s1], $0x80, $0x38;
	[tilespmem:$0x1EA00] =	vst v63  }
0x1a5: {  	s0 =	sadd.s32 @!p2 $0xC00, s0;
	s1 =	simm.s32 @!p2 $0x11F00  }
0x1a6: {  	[tilespmem:s1], [sflag:$0x3] =	stream.linear.gather @!p2 [spmem:s0], $0x80, $0x38;
	[tilespmem:$0x1EA00] =	vst v63  }
0x1a7: {  	_ =	swait.ge [sflag:s19], $0x400  }
0x1a8: {  	[sflag:s19] =	ssyncset.done $0x0  }
0x1a9: {  	[sflag:s19] =	ssyncadd.s32 $0xFFFFFC00  }
0x1aa: {  	_ =	swait.ge [sflag:s20], $0x200  }
0x1ab: {  	[sflag:s20] =	ssyncset.done $0x0  }
0x1ac: {  	s30 =	simm.s32 $0x11CF0;
	[sflag:s20] =	ssyncadd.s32 $0xFFFFFE00  }
0x1ad: {  	v2 =	vld [tilespmem:s30+$0x0]  }
0x1ae: {  	v3 =	vld [tilespmem:s30+$0xFFFFFFA0]  }
0x1af: {  	s0 =	simm.s32 $0x118F0;
	v4 =	vld [tilespmem:s30+$0xFFFFFFB0]  }
0x1b0: {  	v5 =	vld [tilespmem:s0+$0xFFFFFF80]  }
0x1b1: {  	v6 =	vld [tilespmem:s30+$0xFFFFFFC0]  }
0x1b2: {  	v7 =	vld [tilespmem:s30+$0xFFFFFFD0]  }
0x1b3: {  	v8 =	vld [tilespmem:s30+$0xFFFFFFE0]  }
0x1b4: {  	v9 =	vld [tilespmem:s30+$0xFFFFFFF0]  }
0x1b5: {  	v10 =	vld [tilespmem:s30+$0xFFFFFF90]  }
0x1b6: {  	v11 =	vld [tilespmem:s0+$0xFFFFFF10]  }
0x1b7: {  	v12 =	vld [tilespmem:s0+$0xFFFFFF20]  }
0x1b8: {  	v13 =	vld [tilespmem:s0+$0xFFFFFF30]  }
0x1b9: {  	v59 =	vld [tilespmem:s0+$0xFFFFFF50]  }
0x1ba: {  	v14 =	vld [tilespmem:s0+$0xFFFFFF60]  }
0x1bb: {  	v15 =	vld [tilespmem:s0+$0xFFFFFF70]  }
0x1bc: {  	[tilespmem:v2+s24+$0x0] =	vst.idx.add.f32.msk $0xffff, v5  }
0x1bd: {  	[tilespmem:v10+s24+$0x0] =	vst.idx.add.f32.msk $0xffff, v11  }
0x1be: {  	[tilespmem:v3+s24+$0x0] =	vst.idx.add.f32.msk $0xffff, v12  }
0x1bf: {  	[tilespmem:v4+s24+$0x0] =	vst.idx.add.f32.msk $0xffff, v13  }
0x1c0: {  	[tilespmem:v7+s24+$0x0] =	vst.idx.add.f32.msk $0xffff, v59  }
0x1c1: {  	[tilespmem:v8+s24+$0x0] =	vst.idx.add.f32.msk $0xffff, v14  }
0x1c2: {  	v5 =	vld [tilespmem:s0+$0x0]  }
0x1c3: {  	[tilespmem:v9+s24+$0x0] =	vst.idx.add.f32.msk $0xffff, v15  }
0x1c4: {  	v60 =	vld [tilespmem:s0+$0xFFFFFFA0]  }
0x1c5: {  	v61 =	vld [tilespmem:s0+$0xFFFFFFB0]  }
0x1c6: {  	v63 =	vld [tilespmem:s0+$0xFFFFFFD0]  }
0x1c7: {  	[tilespmem:v2+s25+$0x0] =	vst.idx.add.f32.msk $0xffff, v5  }
0x1c8: {  	v2 =	vld [tilespmem:s0+$0xFFFFFF40]  }
0x1c9: {  	v14 =	vld [tilespmem:s0+$0xFFFFFFE0]  }
0x1ca: {  	v15 =	vld [tilespmem:s0+$0xFFFFFFF0]  }
0x1cb: {  	[tilespmem:v3+s25+$0x0] =	vst.idx.add.f32.msk $0xffff, v60  }
0x1cc: {  	[tilespmem:v4+s25+$0x0] =	vst.idx.add.f32.msk $0xffff, v61  }
0x1cd: {  	[tilespmem:v6+s24+$0x0] =	vst.idx.add.f32.msk $0xffff, v2  }
0x1ce: {  	v2 =	vld [tilespmem:s0+$0xFFFFFF90]  }
0x1cf: {  	v62 =	vld [tilespmem:s0+$0xFFFFFFC0]  }
0x1d0: {  	[tilespmem:v7+s25+$0x0] =	vst.idx.add.f32.msk $0xffff, v63  }
0x1d1: {  	[tilespmem:v8+s25+$0x0] =	vst.idx.add.f32.msk $0xffff, v14  }
0x1d2: {  	[tilespmem:v9+s25+$0x0] =	vst.idx.add.f32.msk $0xffff, v15  }
0x1d3: {  	[tilespmem:v10+s25+$0x0] =	vst.idx.add.f32.msk $0xffff, v2  }
0x1d4: {  	s2 =	simm.s32 $0x11DF0;
	s1 =	simm.s32 $0x0;
	[tilespmem:v6+s25+$0x0] =	vst.idx.add.f32.msk $0xffff, v62  }
.LBB2_22:
0x1d5: {  	v2 =	vld [tilespmem:s2+$0x0];
	s1 =	sadd.s32 $0x8, s1  }
0x1d6: {  	v3 =	vld [tilespmem:s2+$0xFFFFFFA0];
	p2 =	slt.u32 s1, $0x18  }
0x1d7: {  	s0 =	sadd.s32 $0x100, s0;
	v4 =	vld [tilespmem:s2+$0xFFFFFFB0]  }
0x1d8: {  	v5 =	vld [tilespmem:s0+$0xFFFFFF80]  }
0x1d9: {  	v6 =	vld [tilespmem:s2+$0xFFFFFFC0]  }
0x1da: {  	v7 =	vld [tilespmem:s2+$0xFFFFFFD0]  }
0x1db: {  	v8 =	vld [tilespmem:s2+$0xFFFFFFE0]  }
0x1dc: {  	v9 =	vld [tilespmem:s2+$0xFFFFFFF0]  }
0x1dd: {  	[tilespmem:v2+s24+$0x0] =	vst.idx.add.f32.msk $0xffff, v5  }
0x1de: {  	v5 =	vld [tilespmem:s0+$0x0]  }
0x1df: {  	v10 =	vld [tilespmem:s2+$0xFFFFFF90]  }
0x1e0: {  	v11 =	vld [tilespmem:s0+$0xFFFFFF10]  }
0x1e1: {  	v12 =	vld [tilespmem:s0+$0xFFFFFF20]  }
0x1e2: {  	v13 =	vld [tilespmem:s0+$0xFFFFFF30]  }
0x1e3: {  	[tilespmem:v2+s25+$0x0] =	vst.idx.add.f32.msk $0xffff, v5  }
0x1e4: {  	v2 =	vld [tilespmem:s0+$0xFFFFFF40]  }
0x1e5: {  	v5 =	vld [tilespmem:s0+$0xFFFFFF50]  }
0x1e6: {  	v14 =	vld [tilespmem:s0+$0xFFFFFF60]  }
0x1e7: {  	v15 =	vld [tilespmem:s0+$0xFFFFFF70]  }
0x1e8: {  	[tilespmem:v10+s24+$0x0] =	vst.idx.add.f32.msk $0xffff, v11  }
0x1e9: {  	[tilespmem:v3+s24+$0x0] =	vst.idx.add.f32.msk $0xffff, v12  }
0x1ea: {  	[tilespmem:v4+s24+$0x0] =	vst.idx.add.f32.msk $0xffff, v13  }
0x1eb: {  	[tilespmem:v6+s24+$0x0] =	vst.idx.add.f32.msk $0xffff, v2  }
0x1ec: {  	[tilespmem:v7+s24+$0x0] =	vst.idx.add.f32.msk $0xffff, v5  }
0x1ed: {  	[tilespmem:v8+s24+$0x0] =	vst.idx.add.f32.msk $0xffff, v14  }
0x1ee: {  	[tilespmem:v9+s24+$0x0] =	vst.idx.add.f32.msk $0xffff, v15  }
0x1ef: {  	v2 =	vld [tilespmem:s0+$0xFFFFFF90]  }
0x1f0: {  	v5 =	vld [tilespmem:s0+$0xFFFFFFA0]  }
0x1f1: {  	v11 =	vld [tilespmem:s0+$0xFFFFFFB0]  }
0x1f2: {  	v12 =	vld [tilespmem:s0+$0xFFFFFFC0]  }
0x1f3: {  	v13 =	vld [tilespmem:s0+$0xFFFFFFD0]  }
0x1f4: {  	v14 =	vld [tilespmem:s0+$0xFFFFFFE0]  }
0x1f5: {  	v15 =	vld [tilespmem:s0+$0xFFFFFFF0]  }
0x1f6: {  	[tilespmem:v10+s25+$0x0] =	vst.idx.add.f32.msk $0xffff, v2  }
0x1f7: {  	[tilespmem:v3+s25+$0x0] =	vst.idx.add.f32.msk $0xffff, v5  }
.Ltmp9:
0x1f8: {  	[tilespmem:v4+s25+$0x0] =	vst.idx.add.f32.msk $0xffff, v11;
	(pc) =	sbr.rel @p2 .LBB2_22-.Ltmp9, $4  }
0x1f9: {  	[tilespmem:v6+s25+$0x0] =	vst.idx.add.f32.msk $0xffff, v12  }
0x1fa: {  	[tilespmem:v7+s25+$0x0] =	vst.idx.add.f32.msk $0xffff, v13  }
0x1fb: {  	[tilespmem:v8+s25+$0x0] =	vst.idx.add.f32.msk $0xffff, v14  }
0x1fc: {  	s2 =	sadd.s32 $0x100, s2;
	[tilespmem:v9+s25+$0x0] =	vst.idx.add.f32.msk $0xffff, v15  }
0x1fd: {  	s9 =	sadd.s32 $0x1, s9  }
0x1fe: {  	p2 =	seq.s32 s9, $0x40  }
.Ltmp10:
0x1ff: {  	_ = 	snop;
	(pc) =	sbr.rel @!p2 .LBB2_19-.Ltmp10, $1  }
0x200: {  	_ =	sdelay $0x3  }
0x201: {  	s0 =	sshll.u32 s22, $0x15;
	s1 =	rddreg [dreg:$0xe]  }
0x202: {  	s29 =	rddreg [dreg:$0x4];
	s8 =	simm.s32 $0x0;
	s0 =	sor.u32 s0, s1  }
0x203: {  	s9 =	simm.s32 $0x9420;
	s2 =	simm.s32 $0x1420;
	s3 =	sor.u32 s11, s0  }
0x204: {  	s14 =	simm.s32 $0x1630;
	s20 =	simm.s32 $0x9630;
	s30 =	sshrl.u32 s3, $0x3  }
0x205: {  	s21 =	simm.s32 $0x0;
	s7 =	sadd.s32 s7, s29;
	[dreg:$0x13] =	wrdreg s30  }
.LBB2_25:
0x206: {  	p2 =	seq.s32 s21, $0x0  }
0x207: {  	s0 =	simm.s32 @!p2 $0x5  }
0x208: {  	_ =	swait.ge @!p2 [sflag:s0], $0x400  }
0x209: {  	s13 =	sshll.u32 s21, $0xD;
	s1 =	simm.s32 $0x80;
	[sflag:s0] =	ssyncset.done @!p2 $0x0  }
0x20a: {  	s4 =	simm.s32 $0x12000;
	s11 =	sadd.s32 s13, s7;
	[sflag:s0] =	ssyncadd.s32 @!p2 $0xFFFFFC00  }
0x20b: {  	[tilespmem:s4], [sflag:$0x7] =	stream.strided.gather [spmem:s11], $0x200, s15, s1, $0x38;
	[tilespmem:$0x1EA00] =	vst v63  }
0x20c: {  	_ =	swait.ge [sflag:s31], $0x200  }
0x20d: {  	[sflag:s31] =	ssyncset.done $0x0  }
0x20e: {  	s12 =	simm.s32 $0x12020;
	[sflag:s31] =	ssyncadd.s32 $0xFFFFFE00  }
0x20f: {  	v6 =	vld [tilespmem:s12+$0x10]  }
0x210: {  	v5 =	vld [tilespmem:s2+$0x10]  }
0x211: {  	v3 =	vld [tilespmem:s12+$0xFFFFFFE0]  }
0x212: {  	p3 =	por $0x0, $0x0;
	s29 =	sshll.u32 s21, $0xA;
	v7 =	vld [tilespmem:s2+$0xFFFFFFE0]  }
0x213: {  	s30 =	simm.s32 $0x0;
	s5 =	sand.u32 $0x300, s8;
	s6 =	simm.s32 $0x10;
	v2 =	vld [tilespmem:s12+$0xFFFFFFF0]  }
0x214: {  	s10 =	simm.s32 $0x30;
	s17 =	simm.s32 $0x20;
	s18 =	sand.u32 $0x7, s8;
	v8 =	vld [tilespmem:s2+$0xFFFFFFF0]  }
0x215: {  	s28 =	simm.s32 $0x12060;
	s16 =	sadd.s32 $0x12200, s5;
	s10 =	sand.u32 $0x70, s10;
	v4 =	vld [tilespmem:s12+$0x0]  }
0x216: {  	s6 =	sand.u32 $0x50, s6;
	s5 =	sand.u32 $0x60, s17;
	s17 =	simm.s32 $0x0;
	v9 =	vld [tilespmem:s2+$0x0];
	v5 =	vmul.f32 v5, v6  }
0x217: {  	s10 =	sor.u32 s10, s16;
	s1 =	simm.s32 $0x1;
	s15 =	sand.u32 $0x3, s8  }
0x218: {  	s11 =	sand.u32 $0x40, s8;
	s1 =	simm.s32 @!p3 $0x0;
	s4 =	sshll.u32 s15, $0x5;
	[tilespmem:s10+$0x0] =	vst v5;
	v5 =	vmul.f32 v7, v3  }
0x219: {  	s11 =	sor.u32 s11, s16;
	s1 =	sshll.u32 s1, $0x6;
	s4 =	sadd.s32 $0x0, s4;
	v10 =	vld [tilespmem:s9+$0x10]  }
0x21a: {  	s6 =	sor.u32 s6, s16;
	s19 =	sadd.s32 $0x0, s1;
	s4 =	sadd.s32 $0x20, s4;
	v8 =	vmul.f32 v8, v2;
	[tilespmem:s11+$0x0] =	vst v5  }
0x21b: {  	s31 =	simm.s32 $0x0;
	s12 =	sor.u32 s5, s16;
	s15 =	sor.u32 $0x80, s19;
	v9 =	vmul.f32 v9, v4;
	v7 =	vld [tilespmem:s9+$0xFFFFFFE0]  }
0x21c: {  	s0 =	sor.u32 $0x80, s4;
	s19 =	smov.u32 s2;
	s10 =	sshll.u32 s18, $0x4;
	[tilespmem:s6+$0x0] =	vst v8  }
0x21d: {  	[tilespmem:s12+$0x0] =	vst v9;
	s12 =	smov.u32 s2;
	s6 =	smov.u32 s9;
	s23 =	sadd.s32 $0x0, s10;
	v5 =	vld [tilespmem:s9+$0xFFFFFFF0]  }
0x21e: {  	s10 =	simm.s32 $0x0;
	s26 =	sadd.s32 $0x10, s23;
	s1 =	sadd.s32 $0x30, s23;
	v8 =	vmul.f32 v10, v6  }
0x21f: {  	s5 =	sor.u32 $0x80, s26;
	s4 =	sor.u32 $0x80, s1;
	s1 =	simm.s32 $0x0;
	v6 =	vld [tilespmem:s9+$0x0]  }
.LBB2_26:
0x220: {  	v9 =	vld [tilespmem:s28+$0x10];
	v7 =	vmul.f32 v7, v3;
	[tilespmem:s4+$0x12200] =	vst v8;
	s12 =	sadd.s32 $0x40, s12;
	s11 =	smov.u32 s6  }
0x221: {  	s31 =	sadd.s32 $0x2, s31;
	p3 =	por !p3, !p3;
	s26 =	simm.s32 $0x1;
	v8 =	vld [tilespmem:s12+$0x10];
	[tilespmem:s19+$0x10] =	vst v0  }
0x222: {  	s30 =	sadd.s32 $0x4, s30;
	s4 =	sand.u32 $0x3, s31;
	s26 =	simm.s32 @!p3 $0x0;
	v3 =	vld [tilespmem:s28+$0xFFFFFFE0];
	v5 =	vmul.f32 v5, v2;
	[tilespmem:s6+$0x10] =	vst v0  }
0x223: {  	s10 =	sadd.s32 $0x40, s10;
	s4 =	sshll.u32 s4, $0x5;
	s26 =	sshll.u32 s26, $0x6;
	v10 =	vld [tilespmem:s12+$0xFFFFFFE0];
	[tilespmem:s15+$0x12200] =	vst v7  }
0x224: {  	s1 =	sadd.s32 $0x80, s1;
	p4 =	slt.u32 s30, $0x1C;
	s18 =	sadd.s32 $0x10, s10;
	v2 =	vld [tilespmem:s28+$0xFFFFFFF0];
	[tilespmem:s19+$0xFFFFFFE0] =	vst v0;
	v6 =	vmul.f32 v6, v4  }
0x225: {  	s16 =	sadd.s32 $0x30, s10;
	s23 =	sadd.s32 $0x20, s10;
	s15 =	sand.u32 $0x300, s1;
	v7 =	vld [tilespmem:s12+$0xFFFFFFF0];
	[tilespmem:s6+$0xFFFFFFE0] =	vst v0  }
0x226: {  	s16 =	sand.u32 $0x70, s16;
	s4 =	sadd.s32 s1, s4;
	s15 =	sadd.s32 $0x12200, s15;
	v4 =	vld [tilespmem:s28+$0x0];
	v8 =	vmul.f32 v8, v9;
	[tilespmem:s5+$0x12200] =	vst v5  }
0x227: {  	s16 =	sor.u32 s16, s15;
	s5 =	sand.u32 $0x50, s18;
	s18 =	sand.u32 $0x60, s23;
	v5 =	vld [tilespmem:s12+$0x0];
	[tilespmem:s19+$0xFFFFFFF0] =	vst v0  }
0x228: {  	s6 =	sadd.s32 $0x40, s6;
	s23 =	sand.u32 $0x40, s10;
	s5 =	sor.u32 s5, s15;
	v10 =	vmul.f32 v10, v3;
	[tilespmem:s16+$0x0] =	vst v8  }
0x229: {  	s18 =	sor.u32 s18, s15;
	s16 =	sor.u32 s23, s15;
	s15 =	sadd.s32 s26, s1;
	v8 =	vld [tilespmem:s6+$0x10];
	[tilespmem:s11+$0xFFFFFFF0] =	vst v0  }
0x22a: {  	s17 =	sadd.s32 $0x4, s17;
	s4 =	sadd.s32 $0x20, s4;
	s15 =	sor.u32 $0x80, s15;
	[tilespmem:s16+$0x0] =	vst v10;
	v10 =	vmul.f32 v7, v2  }
.Ltmp11:
0x22b: {  	s16 =	sand.u32 $0x7, s17;
	v7 =	vld [tilespmem:s6+$0xFFFFFFE0];
	[tilespmem:s0+$0x12200] =	vst v6;
	s0 =	sor.u32 $0x80, s4;
	(pc) =	sbr.rel @p4 .LBB2_26-.Ltmp11, $4  }
0x22c: {  	s4 =	sshll.u32 s16, $0x4;
	[tilespmem:s5+$0x0] =	vst v10;
	v6 =	vmul.f32 v5, v4  }
0x22d: {  	s4 =	sadd.s32 s1, s4;
	v5 =	vld [tilespmem:s6+$0xFFFFFFF0];
	[tilespmem:s19+$0x0] =	vst v0;
	s19 =	smov.u32 s12  }
0x22e: {  	s5 =	sadd.s32 $0x10, s4;
	s4 =	sadd.s32 $0x30, s4;
	[tilespmem:s18+$0x0] =	vst v6;
	v8 =	vmul.f32 v8, v9  }
0x22f: {  	s28 =	sadd.s32 $0x40, s28;
	s5 =	sor.u32 $0x80, s5;
	s4 =	sor.u32 $0x80, s4;
	v6 =	vld [tilespmem:s6+$0x0];
	[tilespmem:s11+$0x0] =	vst v0  }
0x230: {  	[tilespmem:s4+$0x12200] =	vst v8  }
0x231: {  	v3 =	vmul.f32 v7, v3;
	[tilespmem:s19+$0x10] =	vst v0  }
0x232: {  	[tilespmem:s6+$0x10] =	vst v0  }
0x233: {  	[tilespmem:s15+$0x12200] =	vst v3  }
0x234: {  	v2 =	vmul.f32 v5, v2;
	[tilespmem:s19+$0xFFFFFFE0] =	vst v0  }
0x235: {  	[tilespmem:s6+$0xFFFFFFE0] =	vst v0  }
0x236: {  	[tilespmem:s5+$0x12200] =	vst v2  }
0x237: {  	v2 =	vmul.f32 v6, v4;
	[tilespmem:s19+$0xFFFFFFF0] =	vst v0  }
0x238: {  	[tilespmem:s6+$0xFFFFFFF0] =	vst v0  }
0x239: {  	s18 =	sor.u32 s13, s3;
	[tilespmem:s0+$0x12200] =	vst v2  }
0x23a: {  	s1 =	rddreg [dreg:$0x2];
	s23 =	simm.s32 $0x400;
	s0 =	sshrl.u32 s18, $0x3;
	[tilespmem:s19+$0x0] =	vst v0  }
0x23b: {  	s26 =	simm.s32 $0x100;
	s30 =	simm.s32 $0x12200;
	s0 =	sadd.s32 s1, s0;
	[tilespmem:s6+$0x0] =	vst v0  }
0x23c: {  	[hbm4b:s0+s26] =	stream.strided.scatter [tilespmem:s30], [sflag:$0x5], $0x400, s23, s26, $0x38;
	[tilespmem:$0x1EA00] =	vst v63  }
0x23d: {  	s13 =	sor.u32 $0x200, s29;
	s0 =	simm.s32 @!p2 $0x6  }
0x23e: {  	s10 =	simm.s32 $0x80;
	s5 =	sshll.u32 s13, $0x5;
	_ =	swait.ge @!p2 [sflag:s0], $0x400  }
0x23f: {  	s11 =	simm.s32 $0x12000;
	s1 =	sshra.s32 s5, $0x2;
	[sflag:s0] =	ssyncset.done @!p2 $0x0  }
0x240: {  	s31 =	simm.s32 $0x7;
	s6 =	sadd.s32 s1, s7;
	[sflag:s0] =	ssyncadd.s32 @!p2 $0xFFFFFC00  }
0x241: {  	[tilespmem:s11], [sflag:$0x7] =	stream.strided.gather [spmem:s6], $0x200, s23, s10, $0x38;
	[tilespmem:$0x1EA00] =	vst v63  }
0x242: {  	_ =	swait.ge [sflag:s31], $0x200  }
0x243: {  	[sflag:s31] =	ssyncset.done $0x0  }
0x244: {  	s12 =	simm.s32 $0x12020;
	[sflag:s31] =	ssyncadd.s32 $0xFFFFFE00  }
0x245: {  	v5 =	vld [tilespmem:s12+$0x10]  }
0x246: {  	v6 =	vld [tilespmem:s14+$0x0]  }
0x247: {  	v3 =	vld [tilespmem:s12+$0xFFFFFFE0]  }
0x248: {  	v7 =	vld [tilespmem:s14+$0xFFFFFFD0]  }
0x249: {  	s0 =	simm.s32 $0x0;
	v2 =	vld [tilespmem:s12+$0xFFFFFFF0]  }
0x24a: {  	s16 =	simm.s32 $0x30;
	s15 =	sand.u32 $0x300, s0;
	v8 =	vld [tilespmem:s14+$0xFFFFFFE0]  }
0x24b: {  	s5 =	sand.u32 $0x70, s16;
	s17 =	sadd.s32 $0x12600, s15;
	v4 =	vld [tilespmem:s12+$0x0];
	v6 =	vmul.f32 v6, v5  }
0x24c: {  	s18 =	sor.u32 s5, s17;
	v9 =	vld [tilespmem:s14+$0xFFFFFFF0]  }
0x24d: {  	s10 =	sand.u32 $0x40, s0;
	[tilespmem:s18+$0x0] =	vst v6;
	v6 =	vmul.f32 v7, v3  }
0x24e: {  	s19 =	simm.s32 $0x10;
	s23 =	sor.u32 s10, s17;
	v10 =	vld [tilespmem:s20+$0x0]  }
0x24f: {  	s28 =	sand.u32 $0x50, s19;
	v8 =	vmul.f32 v8, v2;
	[tilespmem:s23+$0x0] =	vst v6  }
0x250: {  	s11 =	simm.s32 $0x20;
	s26 =	sor.u32 s28, s17;
	v7 =	vld [tilespmem:s20+$0xFFFFFFD0]  }
0x251: {  	s1 =	simm.s32 $0x0;
	s19 =	sand.u32 $0x60, s11;
	v9 =	vmul.f32 v9, v4;
	[tilespmem:s26+$0x0] =	vst v8  }
0x252: {  	s6 =	smov.u32 s20;
	s15 =	sadd.s32 $0x12680, s15;
	s30 =	sor.u32 s19, s17;
	v6 =	vld [tilespmem:s20+$0xFFFFFFE0]  }
0x253: {  	s11 =	smov.u32 s14;
	s29 =	sor.u32 s10, s15;
	s4 =	sor.u32 s5, s15;
	[tilespmem:s30+$0x0] =	vst v9;
	v8 =	vmul.f32 v10, v5  }
0x254: {  	s10 =	simm.s32 $0x12060;
	s17 =	simm.s32 $0x0;
	s12 =	smov.u32 s14;
	v5 =	vld [tilespmem:s20+$0xFFFFFFF0]  }
.LBB2_28:
0x255: {  	v9 =	vld [tilespmem:s10+$0x10];
	v7 =	vmul.f32 v7, v3;
	s16 =	sor.u32 s28, s15;
	s15 =	sor.u32 s19, s15;
	[tilespmem:s4+$0x0] =	vst v8;
	s11 =	sadd.s32 $0x40, s11  }
0x256: {  	s5 =	smov.u32 s6;
	v8 =	vld [tilespmem:s11+$0x0];
	[tilespmem:s12+$0x0] =	vst v0  }
0x257: {  	v3 =	vld [tilespmem:s10+$0xFFFFFFE0];
	v6 =	vmul.f32 v6, v2;
	[tilespmem:s6+$0x0] =	vst v0  }
0x258: {  	s1 =	sadd.s32 $0x4, s1;
	v10 =	vld [tilespmem:s11+$0xFFFFFFD0];
	[tilespmem:s29+$0x0] =	vst v7  }
0x259: {  	s0 =	sadd.s32 $0x80, s0;
	s17 =	sadd.s32 $0x40, s17;
	p2 =	slt.u32 s1, $0x1C;
	v2 =	vld [tilespmem:s10+$0xFFFFFFF0];
	[tilespmem:s12+$0xFFFFFFD0] =	vst v0;
	v5 =	vmul.f32 v5, v4  }
0x25a: {  	s4 =	sand.u32 $0x300, s0;
	s18 =	sadd.s32 $0x10, s17;
	s19 =	sadd.s32 $0x30, s17;
	v7 =	vld [tilespmem:s11+$0xFFFFFFE0];
	[tilespmem:s6+$0xFFFFFFD0] =	vst v0  }
0x25b: {  	s26 =	sadd.s32 $0x20, s17;
	s23 =	sadd.s32 $0x12600, s4;
	s30 =	sand.u32 $0x70, s19;
	v4 =	vld [tilespmem:s10+$0x0];
	v8 =	vmul.f32 v8, v9;
	[tilespmem:s16+$0x0] =	vst v6  }
0x25c: {  	s28 =	sand.u32 $0x50, s18;
	s19 =	sand.u32 $0x60, s26;
	s16 =	sor.u32 s30, s23;
	v6 =	vld [tilespmem:s11+$0xFFFFFFF0];
	[tilespmem:s12+$0xFFFFFFE0] =	vst v0  }
0x25d: {  	s18 =	sand.u32 $0x40, s17;
	s26 =	sor.u32 s28, s23;
	s6 =	sadd.s32 $0x40, s6;
	v10 =	vmul.f32 v10, v3;
	[tilespmem:s16+$0x0] =	vst v8  }
0x25e: {  	s16 =	sor.u32 s18, s23;
	s23 =	sor.u32 s19, s23;
	v8 =	vld [tilespmem:s6+$0x0];
	[tilespmem:s5+$0xFFFFFFE0] =	vst v0  }
0x25f: {  	[tilespmem:s16+$0x0] =	vst v10;
	v10 =	vmul.f32 v7, v2  }
.Ltmp12:
0x260: {  	v7 =	vld [tilespmem:s6+$0xFFFFFFD0];
	[tilespmem:s15+$0x0] =	vst v5;
	(pc) =	sbr.rel @p2 .LBB2_28-.Ltmp12, $4  }
0x261: {  	[tilespmem:s26+$0x0] =	vst v10;
	v5 =	vmul.f32 v6, v4  }
0x262: {  	v6 =	vld [tilespmem:s6+$0xFFFFFFE0];
	[tilespmem:s12+$0xFFFFFFF0] =	vst v0;
	s12 =	smov.u32 s11  }
0x263: {  	s15 =	sadd.s32 $0x12680, s4;
	[tilespmem:s23+$0x0] =	vst v5;
	v8 =	vmul.f32 v8, v9  }
0x264: {  	s10 =	sadd.s32 $0x40, s10;
	s29 =	sor.u32 s18, s15;
	s4 =	sor.u32 s30, s15;
	v5 =	vld [tilespmem:s6+$0xFFFFFFF0];
	[tilespmem:s5+$0xFFFFFFF0] =	vst v0  }
0x265: {  	[tilespmem:s4+$0x0] =	vst v8  }
0x266: {  	v3 =	vmul.f32 v7, v3;
	[tilespmem:s12+$0x0] =	vst v0  }
0x267: {  	[tilespmem:s6+$0x0] =	vst v0  }
0x268: {  	[tilespmem:s29+$0x0] =	vst v3  }
0x269: {  	v2 =	vmul.f32 v6, v2;
	[tilespmem:s12+$0xFFFFFFD0] =	vst v0  }
0x26a: {  	s0 =	sor.u32 s28, s15;
	[tilespmem:s6+$0xFFFFFFD0] =	vst v0  }
0x26b: {  	[tilespmem:s0+$0x0] =	vst v2  }
0x26c: {  	v2 =	vmul.f32 v5, v4;
	[tilespmem:s12+$0xFFFFFFE0] =	vst v0  }
0x26d: {  	s28 =	sor.u32 s19, s15;
	s21 =	sadd.s32 $0x1, s21;
	[tilespmem:s6+$0xFFFFFFE0] =	vst v0  }
0x26e: {  	p2 =	sne.s32 s21, $0x20;
	[tilespmem:s28+$0x0] =	vst v2  }
.Ltmp13:
0x26f: {  	s1 =	rddreg [dreg:$0x2];
	s15 =	simm.s32 $0x400;
	[tilespmem:s12+$0xFFFFFFF0] =	vst v0;
	(pc) =	sbr.rel @p2 .LBB2_25-.Ltmp13, $4  }
0x270: {  	s30 =	simm.s32 $0x12600;
	s9 =	sadd.s32 $0x400, s9;
	s0 =	rddreg [dreg:$0x13]  }
0x271: {  	s2 =	sadd.s32 $0x400, s2;
	s14 =	sadd.s32 $0x400, s14;
	s0 =	sor.u32 s13, s0  }
0x272: {  	s20 =	sadd.s32 $0x400, s20;
	s29 =	simm.s32 $0x100;
	[tilespmem:s6+$0xFFFFFFF0] =	vst v0;
	s0 =	sadd.s32 s1, s0  }
0x273: {  	[hbm4b:s0+s29] =	stream.strided.scatter [tilespmem:s30], [sflag:$0x6], $0x400, s15, s29, $0x38;
	[tilespmem:$0x1EA00] =	vst v63  }
0x274: {  	s0 =	simm.s32 $0x5  }
0x275: {  	_ =	swait.ge [sflag:s0], $0x400  }
0x276: {  	s30 =	simm.s32 $0x6;
	s22 =	sadd.s32 $0x1, s22;
	[sflag:s0] =	ssyncset.done $0x0  }
0x277: {  	s16 =	simm.s32 $0x11800;
	p2 =	sne.s32 s22, $0x8;
	[sflag:s0] =	ssyncadd.s32 $0xFFFFFC00  }
.Ltmp14:
0x278: {  	s17 =	simm.s32 $0x11C80;
	_ =	swait.ge [sflag:s30], $0x400;
	(pc) =	sbr.rel @p2 .LBB2_18-.Ltmp14, $4  }
0x279: {  	s18 =	simm.s32 $0x11D80;
	s26 =	simm.s32 $0x11E80;
	[sflag:s30] =	ssyncset.done $0x0  }
0x27a: {  	s6 =	simm.s32 $0x11F80;
	s11 =	rddreg [dreg:$0xd];
	[sflag:s30] =	ssyncadd.s32 $0xFFFFFC00  }
0x27b: {  	s13 =	simm.s32 $0x1;
	s14 =	simm.s32 $0x3;
	s10 =	rddreg [dreg:$0x0]  }
0x27c: {  	s19 =	simm.s32 $0x2;
	s20 =	simm.s32 $0x4;
	s5 =	rddreg [dreg:$0x3]  }
0x27d: {  	s7 =	rddreg [dreg:$0x6]  }
0x27e: {  	s0 =	rddreg [dreg:$0xf];
	s7 =	sadd.s32 $0x1, s7  }
0x27f: {  	p2 =	sne.s32 s7, s0  }
.Ltmp15:
0x280: {  	_ = 	snop;
	(pc) =	sbr.rel @p2 .LBB2_1-.Ltmp15, $1  }
0x281: {  	_ =	sdelay $0x3  }
0x282: {  	_ =	sfence.sel $0x180000  }
0x283: {  	[bflag:$0x0] =	sbarrier.arrive $0xFFFF  }
0x284: {  	_ =	strace $0x90000047  }
0x285: {  	s0 =	stileid.u32;
	[bflag:$0x2] =	sbarrier.arrive $0xFFFF  }
0x286: {  	p0 =	sne.s32 s0, $0x0;
	s0 =	rddreg [dreg:$0x5]  }
0x287: {  	s0 =	sadd.s32 @!p0 $0x100000, s0  }
0x288: {  	[sflag:s0] =	ssyncadd.tile.s32 @!p0 $0x1;
	_ =	shalt  }
.Lfunc_end2:
_tile_overlayer_lowered:
.L_overlay_start_2:
0x289: {  	(tag) =	ssettag $0x2  }
0x28a: {  	s0 =	rddreg [dreg:$0x0];
	s2 =	stileid.u32  }
0x28b: {  	s1 =	rddreg [dreg:$0x1];
	p0 =	sne.s32 s2, $0x0  }
0x28c: {  	s3 =	rddreg [dreg:$0x2];
	[bflag:$0x3] =	sbarrier.arrive $0xFFFF;
	s2 =	simm.s32 @!p0 $0x1C07  }
0x28d: {  	[timem:s3], [sflag:s2] =	dma.local @!p0 [hbm:s0], s1  }
0x28e: {  	s0 =	simm.s32 @!p0 $0x7  }
0x28f: {  	_ =	swait.ge @!p0 [sflag:s0], s1  }
0x290: {  	s1 =	ssub.s32 @!p0 $0x0, s1;
	[sflag:s0] =	ssyncset.done @!p0 $0x0  }
0x291: {  	[sflag:s0] =	ssyncadd.s32 @!p0 s1  }
0x292: {  	[bflag:$0x3] =	sbarrier.arrive $0xFFFF  }
0x293: {  	_ =	shalt  }

</sc_bundles>
